<compile_context>
chip_gen: v7x
topology: tpu7x:2x2x1
jax: 0.10.2.dev20260603
libtpu: 0.0.44.dev20260713+nightly
codegen_flags: <defaults>
</compile_context>

<pallas_src>
import functools

import jax
import jax.numpy as jnp
from jax import lax
from jax.experimental import pallas as pl
from jax.experimental.pallas import tpu as pltpu
from jax.experimental.pallas import tpu_sc as plsc

N, K, H, W = 4, 8, 384, 384
C = 16
NPTS = 100000
NC, NS, L = 2, 16, 16
NWORKERS = NC * NS
PIX = H * W
PER_W = PIX // NWORKERS
P = 512
CHUNKS = PER_W // P

_mesh = plsc.VectorSubcoreMesh(core_axis_name="c", subcore_axis_name="s")


@functools.partial(
    pl.kernel,
    out_type=jax.ShapeDtypeStruct((N, C, PIX), jnp.float32),
    mesh=_mesh,
    compiler_params=pltpu.CompilerParams(
        needs_layout_passes=False, use_tc_tiling_on_sc=False),
    scratch_types=[
        [pltpu.VMEM((P,), jnp.int32) for _ in range(K)],
        pltpu.VMEM((K, P), jnp.float32),
        pltpu.VMEM((K, P, C), jnp.float32),
        pltpu.VMEM((C, P), jnp.float32),
        pltpu.SemaphoreType.DMA,
    ],
)
def _compose(table_hbm, frag_hbm, zbuf_hbm, out_hbm, idx_vs, z_v, rows_v,
             out_v, sem):
    wid = lax.axis_index("s") * NC + lax.axis_index("c")

    def chunk_body(t, carry):
        n = t // CHUNKS
        j = t % CHUNKS
        base = wid * PER_W + j * P
        for k in range(K):
            pltpu.sync_copy(frag_hbm.at[n, k, pl.ds(base, P)], idx_vs[k])
        pltpu.sync_copy(zbuf_hbm.at[n, :, pl.ds(base, P)], z_v)
        cps = [pltpu.async_copy(table_hbm.at[idx_vs[k]], rows_v.at[k], sem)
               for k in range(K)]
        for cp in cps:
            cp.wait()

        def group_body(g, carry2):
            p0 = g * L
            lanes = lax.iota(jnp.int32, L)
            imps = []
            for k in range(K):
                zk = z_v[k, pl.ds(p0, L)]
                zp = jnp.where(zk < 0.0, jnp.float32(-0.0001), zk)
                imps.append(1.0 / (zp + 1e-6))
            m = imps[0]
            for k in range(1, K):
                m = jnp.maximum(m, imps[k])
            es = [jnp.exp(i - m) for i in imps]
            s = es[0]
            for k in range(1, K):
                s = s + es[k]
            inv = 1.0 / s
            ws = [e * inv for e in es]
            rows = lanes + p0
            for c in range(C):
                ci = jnp.full((L,), c, jnp.int32)
                acc = None
                for k in range(K):
                    ki = jnp.full((L,), k, jnp.int32)
                    gk = plsc.load_gather(rows_v, [ki, rows, ci])
                    acc = ws[k] * gk if acc is None else acc + ws[k] * gk
                out_v[c, pl.ds(p0, L)] = acc
            return carry2

        lax.fori_loop(0, P // L, group_body, 0)
        pltpu.sync_copy(out_v, out_hbm.at[n, :, pl.ds(base, P)])
        return carry

    lax.fori_loop(0, N * CHUNKS, chunk_body, 0)


def kernel(fragments, zbuf, ptclds):
    table = jnp.transpose(ptclds)
    frag = fragments.reshape(N, K, PIX)
    zb = zbuf.reshape(N, K, PIX)
    out = _compose(table, frag, zb)
    return out.reshape(N, C, H, W)

# --- scband reference (transcript-rebuilt; emitter-appended) ---
"""Pipeline reference for scband-softmax-importance-compositor-609885356846 (READ-ONLY COPY).

The authoritative reference and input builder live on the scoring server;
editing this copy changes nothing except your own understanding.
"""

import jax, jax.numpy as jnp
import numpy as np

SCALE = 1.0

def setup_inputs(seed: int = 0) -> dict:
    key = jax.random.key(seed)
    k1, k2, k3 = jax.random.split(key, 3)
    fragments = jax.random.randint(k1, (4, 8, 384, 384), 0, 100000, dtype=jnp.int32)
    zbuf = jax.random.uniform(k2, (4, 8, 384, 384), dtype=jnp.float32)
    ptclds = jax.random.normal(k3, (16, 100000), dtype=jnp.float32)
    return {"fragments": fragments, "zbuf": zbuf, "ptclds": ptclds}

def reference(fragments, zbuf, ptclds):
    # zbuf_processed: depths < 0 (no point assigned) replaced by -0.0001
    zbuf_p = jnp.where(zbuf < 0, jnp.float32(-0.0001), zbuf)
    importance = 1.0 / (zbuf_p + 1e-06)
    weights = jax.nn.softmax(importance * SCALE, axis=1)  # (N, K, H, W)
    C = ptclds.shape[0]
    N, K, H, W = fragments.shape
    fragments_flat = fragments.reshape(-1)
    gathered = jnp.take(ptclds, fragments_flat, axis=1)  # (C, N*K*H*W)
    gathered_features = gathered.reshape(C, N, K, H, W)
    images = (weights[None, ...] * gathered_features).sum(axis=2)  # (C, N, H, W)
    images = jnp.transpose(images, (1, 0, 2, 3))  # (N, C, H, W)
    return images

if __name__ == "__main__":
    import jax
    _d = setup_inputs()
    print(jax.jit(kernel)(*tuple(_d.values())))

</pallas_src>

<mosaic_0001>
#map = affine_map<(d0, d1) -> (0, 0)>
#map1 = affine_map<(d0, d1) -> (0, 0, 0)>
module attributes {stable_mosaic.version = 14 : i64} {
  func.func @_compose(%arg0: i32, %arg1: i32, %arg2: memref<100000x16xf32, #tpu.memory_space<hbm>>, %arg3: memref<4x8x147456xi32, #tpu.memory_space<hbm>>, %arg4: memref<4x8x147456xf32, #tpu.memory_space<hbm>>, %arg5: memref<4x16x147456xf32, #tpu.memory_space<hbm>>, %arg6: memref<512xi32, #tpu.memory_space<vmem>>, %arg7: memref<512xi32, #tpu.memory_space<vmem>>, %arg8: memref<512xi32, #tpu.memory_space<vmem>>, %arg9: memref<512xi32, #tpu.memory_space<vmem>>, %arg10: memref<512xi32, #tpu.memory_space<vmem>>, %arg11: memref<512xi32, #tpu.memory_space<vmem>>, %arg12: memref<512xi32, #tpu.memory_space<vmem>>, %arg13: memref<512xi32, #tpu.memory_space<vmem>>, %arg14: memref<8x512xf32, #tpu.memory_space<vmem>>, %arg15: memref<8x512x16xf32, #tpu.memory_space<vmem>>, %arg16: memref<16x512xf32, #tpu.memory_space<vmem>>, %arg17: memref<!tpu.dma_semaphore, #tpu.memory_space<semaphore_mem>>) attributes {dimension_semantics = [#tpu.dimension_semantics<core_parallel>, #tpu.dimension_semantics<subcore_parallel>], iteration_bounds = array<i64: 2, 16>, scalar_prefetch = 0 : i64, scratch_operands = 12 : i64, tpu.core_type = #tpu.core_type<sc_vector_subcore>, window_params = [{transform_indices = #map}, {transform_indices = #map1}, {transform_indices = #map1}, {transform_indices = #map1}]} {
    %mul3A = arith.constant 2 : i32
    %mul3A_0 = arith.muli %arg1, %mul3A : i32
    %add3A = arith.addi %mul3A_0, %arg0 : i32
    %scan3A = arith.constant 0 : i32
    %scan3A_1 = arith.constant 0 : i32
    %scan3A_2 = arith.constant 36 : i32
    %scan3A_3 = arith.addi %scan3A_1, %scan3A_2 : i32
    %scan3A_4 = arith.constant 1 : i32
    scf.for %scan3A_6 = %scan3A_1 to %scan3A_3 step %scan3A_4  : i32 {
      %jit3A = arith.constant 9 : i32
      %div3A = arith.divsi %scan3A_6, %jit3A : i32
      %sign3A = arith.constant 0 : i32
      %sign3A_7 = arith.cmpi sgt, %scan3A_6, %sign3A : i32
      %sign3A_8 = arith.extui %sign3A_7 : i1 to i32
      %sign3A_9 = arith.constant 0 : i32
      %sign3A_10 = arith.cmpi slt, %scan3A_6, %sign3A_9 : i32
      %sign3A_11 = arith.extui %sign3A_10 : i1 to i32
      %sign3A_12 = arith.subi %sign3A_8, %sign3A_11 : i32
      %sign3A_13 = arith.constant 0 : i32
      %sign3A_14 = arith.cmpi sgt, %jit3A, %sign3A_13 : i32
      %sign3A_15 = arith.extui %sign3A_14 : i1 to i32
      %sign3A_16 = arith.constant 0 : i32
      %sign3A_17 = arith.cmpi slt, %jit3A, %sign3A_16 : i32
      %sign3A_18 = arith.extui %sign3A_17 : i1 to i32
      %sign3A_19 = arith.subi %sign3A_15, %sign3A_18 : i32
      %ne3A = arith.cmpi ne, %sign3A_12, %sign3A_19 : i32
      %rem3A = arith.remsi %scan3A_6, %jit3A : i32
      %ne3A_20 = arith.constant 0 : i32
      %ne3A_21 = arith.cmpi ne, %rem3A, %ne3A_20 : i32
      %and3A = arith.andi %ne3A, %ne3A_21 : i1
      %sub3A = arith.constant 1 : i32
      %sub3A_22 = arith.subi %div3A, %sub3A : i32
      %select_n3A = arith.select %and3A, %sub3A_22, %div3A : i32
      %jit3A_23 = arith.constant 9 : i32
      %eq3A = arith.constant 0 : i32
      %eq3A_24 = arith.cmpi eq, %jit3A_23, %eq3A : i32
      %jit3A_25 = arith.constant 1 : i32
      %select_n3A_26 = arith.select %eq3A_24, %jit3A_25, %jit3A_23 : i32
      %rem3A_27 = arith.remsi %scan3A_6, %select_n3A_26 : i32
      %ne3A_28 = arith.constant 0 : i32
      %ne3A_29 = arith.cmpi ne, %rem3A_27, %ne3A_28 : i32
      %lt3A = arith.constant 0 : i32
      %lt3A_30 = arith.cmpi slt, %rem3A_27, %lt3A : i32
      %lt3A_31 = arith.constant 0 : i32
      %lt3A_32 = arith.cmpi slt, %select_n3A_26, %lt3A_31 : i32
      %ne3A_33 = arith.xori %lt3A_30, %lt3A_32 : i1
      %and3A_34 = arith.andi %ne3A_33, %ne3A_29 : i1
      %add3A_35 = arith.addi %rem3A_27, %select_n3A_26 : i32
      %select_n3A_36 = arith.select %and3A_34, %add3A_35, %rem3A_27 : i32
      %mul3A_37 = arith.constant 4608 : i32
      %mul3A_38 = arith.muli %add3A, %mul3A_37 : i32
      %mul3A_39 = arith.constant 512 : i32
      %mul3A_40 = arith.muli %select_n3A_36, %mul3A_39 : i32
      %add3A_41 = arith.addi %mul3A_38, %mul3A_40 : i32
      %run_scoped3A = arith.constant 0 : i32
      "tpu.region"() ({
        %run_scoped3A_181 = tpu.sem_alloc : memref<!tpu.dma_semaphore, #tpu.memory_space<semaphore_mem>>
        %dma_start3A_182 = tpu.memref_slice %arg3[%select_n3A, %run_scoped3A, %add3A_41] : memref<4x8x147456xi32, #tpu.memory_space<hbm>> -> memref<1x1x512xi32, #tpu.memory_space<hbm>>
        %dma_start3A_183 = tpu.memref_squeeze %dma_start3A_182 : memref<1x1x512xi32, #tpu.memory_space<hbm>> -> memref<512xi32, #tpu.memory_space<hbm>>
        %dma_start3A_184 = tpu.memref_slice %arg3[%select_n3A, %run_scoped3A, %add3A_41] : memref<4x8x147456xi32, #tpu.memory_space<hbm>> -> memref<1x1x512xi32, #tpu.memory_space<hbm>>
        %dma_start3A_185 = tpu.memref_squeeze %dma_start3A_184 : memref<1x1x512xi32, #tpu.memory_space<hbm>> -> memref<512xi32, #tpu.memory_space<hbm>>
        tpu.enqueue_dma source(%dma_start3A_185 : memref<512xi32, #tpu.memory_space<hbm>>) target(%arg6 : memref<512xi32, #tpu.memory_space<vmem>>) target_semaphore(%run_scoped3A_181 : memref<!tpu.dma_semaphore, #tpu.memory_space<semaphore_mem>>)
        %dma_wait3A_186 = tpu.memref_slice %arg3[%select_n3A, %run_scoped3A, %add3A_41] : memref<4x8x147456xi32, #tpu.memory_space<hbm>> -> memref<1x1x512xi32, #tpu.memory_space<hbm>>
        %dma_wait3A_187 = tpu.memref_squeeze %dma_wait3A_186 : memref<1x1x512xi32, #tpu.memory_space<hbm>> -> memref<512xi32, #tpu.memory_space<hbm>>
        %dma_wait3A_188 = tpu.memref_slice %arg3[%select_n3A, %run_scoped3A, %add3A_41] : memref<4x8x147456xi32, #tpu.memory_space<hbm>> -> memref<1x1x512xi32, #tpu.memory_space<hbm>>
        %dma_wait3A_189 = tpu.memref_squeeze %dma_wait3A_188 : memref<1x1x512xi32, #tpu.memory_space<hbm>> -> memref<512xi32, #tpu.memory_space<hbm>>
        tpu.wait_dma2 semaphore(%run_scoped3A_181 : memref<!tpu.dma_semaphore, #tpu.memory_space<semaphore_mem>>) src(%dma_wait3A_189 : memref<512xi32, #tpu.memory_space<hbm>>) dst(%arg6 : memref<512xi32, #tpu.memory_space<vmem>>)
        tpu.yield
      }) : () -> ()
      %run_scoped3A_42 = arith.constant 1 : i32
      "tpu.region"() ({
        %run_scoped3A_181 = tpu.sem_alloc : memref<!tpu.dma_semaphore, #tpu.memory_space<semaphore_mem>>
        %dma_start3A_182 = tpu.memref_slice %arg3[%select_n3A, %run_scoped3A_42, %add3A_41] : memref<4x8x147456xi32, #tpu.memory_space<hbm>> -> memref<1x1x512xi32, #tpu.memory_space<hbm>>
        %dma_start3A_183 = tpu.memref_squeeze %dma_start3A_182 : memref<1x1x512xi32, #tpu.memory_space<hbm>> -> memref<512xi32, #tpu.memory_space<hbm>>
        %dma_start3A_184 = tpu.memref_slice %arg3[%select_n3A, %run_scoped3A_42, %add3A_41] : memref<4x8x147456xi32, #tpu.memory_space<hbm>> -> memref<1x1x512xi32, #tpu.memory_space<hbm>>
        %dma_start3A_185 = tpu.memref_squeeze %dma_start3A_184 : memref<1x1x512xi32, #tpu.memory_space<hbm>> -> memref<512xi32, #tpu.memory_space<hbm>>
        tpu.enqueue_dma source(%dma_start3A_185 : memref<512xi32, #tpu.memory_space<hbm>>) target(%arg7 : memref<512xi32, #tpu.memory_space<vmem>>) target_semaphore(%run_scoped3A_181 : memref<!tpu.dma_semaphore, #tpu.memory_space<semaphore_mem>>)
        %dma_wait3A_186 = tpu.memref_slice %arg3[%select_n3A, %run_scoped3A_42, %add3A_41] : memref<4x8x147456xi32, #tpu.memory_space<hbm>> -> memref<1x1x512xi32, #tpu.memory_space<hbm>>
        %dma_wait3A_187 = tpu.memref_squeeze %dma_wait3A_186 : memref<1x1x512xi32, #tpu.memory_space<hbm>> -> memref<512xi32, #tpu.memory_space<hbm>>
        %dma_wait3A_188 = tpu.memref_slice %arg3[%select_n3A, %run_scoped3A_42, %add3A_41] : memref<4x8x147456xi32, #tpu.memory_space<hbm>> -> memref<1x1x512xi32, #tpu.memory_space<hbm>>
        %dma_wait3A_189 = tpu.memref_squeeze %dma_wait3A_188 : memref<1x1x512xi32, #tpu.memory_space<hbm>> -> memref<512xi32, #tpu.memory_space<hbm>>
        tpu.wait_dma2 semaphore(%run_scoped3A_181 : memref<!tpu.dma_semaphore, #tpu.memory_space<semaphore_mem>>) src(%dma_wait3A_189 : memref<512xi32, #tpu.memory_space<hbm>>) dst(%arg7 : memref<512xi32, #tpu.memory_space<vmem>>)
        tpu.yield
      }) : () -> ()
      %run_scoped3A_43 = arith.constant 2 : i32
      "tpu.region"() ({
        %run_scoped3A_181 = tpu.sem_alloc : memref<!tpu.dma_semaphore, #tpu.memory_space<semaphore_mem>>
        %dma_start3A_182 = tpu.memref_slice %arg3[%select_n3A, %run_scoped3A_43, %add3A_41] : memref<4x8x147456xi32, #tpu.memory_space<hbm>> -> memref<1x1x512xi32, #tpu.memory_space<hbm>>
        %dma_start3A_183 = tpu.memref_squeeze %dma_start3A_182 : memref<1x1x512xi32, #tpu.memory_space<hbm>> -> memref<512xi32, #tpu.memory_space<hbm>>
        %dma_start3A_184 = tpu.memref_slice %arg3[%select_n3A, %run_scoped3A_43, %add3A_41] : memref<4x8x147456xi32, #tpu.memory_space<hbm>> -> memref<1x1x512xi32, #tpu.memory_space<hbm>>
        %dma_start3A_185 = tpu.memref_squeeze %dma_start3A_184 : memref<1x1x512xi32, #tpu.memory_space<hbm>> -> memref<512xi32, #tpu.memory_space<hbm>>
        tpu.enqueue_dma source(%dma_start3A_185 : memref<512xi32, #tpu.memory_space<hbm>>) target(%arg8 : memref<512xi32, #tpu.memory_space<vmem>>) target_semaphore(%run_scoped3A_181 : memref<!tpu.dma_semaphore, #tpu.memory_space<semaphore_mem>>)
        %dma_wait3A_186 = tpu.memref_slice %arg3[%select_n3A, %run_scoped3A_43, %add3A_41] : memref<4x8x147456xi32, #tpu.memory_space<hbm>> -> memref<1x1x512xi32, #tpu.memory_space<hbm>>
        %dma_wait3A_187 = tpu.memref_squeeze %dma_wait3A_186 : memref<1x1x512xi32, #tpu.memory_space<hbm>> -> memref<512xi32, #tpu.memory_space<hbm>>
        %dma_wait3A_188 = tpu.memref_slice %arg3[%select_n3A, %run_scoped3A_43, %add3A_41] : memref<4x8x147456xi32, #tpu.memory_space<hbm>> -> memref<1x1x512xi32, #tpu.memory_space<hbm>>
        %dma_wait3A_189 = tpu.memref_squeeze %dma_wait3A_188 : memref<1x1x512xi32, #tpu.memory_space<hbm>> -> memref<512xi32, #tpu.memory_space<hbm>>
        tpu.wait_dma2 semaphore(%run_scoped3A_181 : memref<!tpu.dma_semaphore, #tpu.memory_space<semaphore_mem>>) src(%dma_wait3A_189 : memref<512xi32, #tpu.memory_space<hbm>>) dst(%arg8 : memref<512xi32, #tpu.memory_space<vmem>>)
        tpu.yield
      }) : () -> ()
      %run_scoped3A_44 = arith.constant 3 : i32
      "tpu.region"() ({
        %run_scoped3A_181 = tpu.sem_alloc : memref<!tpu.dma_semaphore, #tpu.memory_space<semaphore_mem>>
        %dma_start3A_182 = tpu.memref_slice %arg3[%select_n3A, %run_scoped3A_44, %add3A_41] : memref<4x8x147456xi32, #tpu.memory_space<hbm>> -> memref<1x1x512xi32, #tpu.memory_space<hbm>>
        %dma_start3A_183 = tpu.memref_squeeze %dma_start3A_182 : memref<1x1x512xi32, #tpu.memory_space<hbm>> -> memref<512xi32, #tpu.memory_space<hbm>>
        %dma_start3A_184 = tpu.memref_slice %arg3[%select_n3A, %run_scoped3A_44, %add3A_41] : memref<4x8x147456xi32, #tpu.memory_space<hbm>> -> memref<1x1x512xi32, #tpu.memory_space<hbm>>
        %dma_start3A_185 = tpu.memref_squeeze %dma_start3A_184 : memref<1x1x512xi32, #tpu.memory_space<hbm>> -> memref<512xi32, #tpu.memory_space<hbm>>
        tpu.enqueue_dma source(%dma_start3A_185 : memref<512xi32, #tpu.memory_space<hbm>>) target(%arg9 : memref<512xi32, #tpu.memory_space<vmem>>) target_semaphore(%run_scoped3A_181 : memref<!tpu.dma_semaphore, #tpu.memory_space<semaphore_mem>>)
        %dma_wait3A_186 = tpu.memref_slice %arg3[%select_n3A, %run_scoped3A_44, %add3A_41] : memref<4x8x147456xi32, #tpu.memory_space<hbm>> -> memref<1x1x512xi32, #tpu.memory_space<hbm>>
        %dma_wait3A_187 = tpu.memref_squeeze %dma_wait3A_186 : memref<1x1x512xi32, #tpu.memory_space<hbm>> -> memref<512xi32, #tpu.memory_space<hbm>>
        %dma_wait3A_188 = tpu.memref_slice %arg3[%select_n3A, %run_scoped3A_44, %add3A_41] : memref<4x8x147456xi32, #tpu.memory_space<hbm>> -> memref<1x1x512xi32, #tpu.memory_space<hbm>>
        %dma_wait3A_189 = tpu.memref_squeeze %dma_wait3A_188 : memref<1x1x512xi32, #tpu.memory_space<hbm>> -> memref<512xi32, #tpu.memory_space<hbm>>
        tpu.wait_dma2 semaphore(%run_scoped3A_181 : memref<!tpu.dma_semaphore, #tpu.memory_space<semaphore_mem>>) src(%dma_wait3A_189 : memref<512xi32, #tpu.memory_space<hbm>>) dst(%arg9 : memref<512xi32, #tpu.memory_space<vmem>>)
        tpu.yield
      }) : () -> ()
      %run_scoped3A_45 = arith.constant 4 : i32
      "tpu.region"() ({
        %run_scoped3A_181 = tpu.sem_alloc : memref<!tpu.dma_semaphore, #tpu.memory_space<semaphore_mem>>
        %dma_start3A_182 = tpu.memref_slice %arg3[%select_n3A, %run_scoped3A_45, %add3A_41] : memref<4x8x147456xi32, #tpu.memory_space<hbm>> -> memref<1x1x512xi32, #tpu.memory_space<hbm>>
        %dma_start3A_183 = tpu.memref_squeeze %dma_start3A_182 : memref<1x1x512xi32, #tpu.memory_space<hbm>> -> memref<512xi32, #tpu.memory_space<hbm>>
        %dma_start3A_184 = tpu.memref_slice %arg3[%select_n3A, %run_scoped3A_45, %add3A_41] : memref<4x8x147456xi32, #tpu.memory_space<hbm>> -> memref<1x1x512xi32, #tpu.memory_space<hbm>>
        %dma_start3A_185 = tpu.memref_squeeze %dma_start3A_184 : memref<1x1x512xi32, #tpu.memory_space<hbm>> -> memref<512xi32, #tpu.memory_space<hbm>>
        tpu.enqueue_dma source(%dma_start3A_185 : memref<512xi32, #tpu.memory_space<hbm>>) target(%arg10 : memref<512xi32, #tpu.memory_space<vmem>>) target_semaphore(%run_scoped3A_181 : memref<!tpu.dma_semaphore, #tpu.memory_space<semaphore_mem>>)
        %dma_wait3A_186 = tpu.memref_slice %arg3[%select_n3A, %run_scoped3A_45, %add3A_41] : memref<4x8x147456xi32, #tpu.memory_space<hbm>> -> memref<1x1x512xi32, #tpu.memory_space<hbm>>
        %dma_wait3A_187 = tpu.memref_squeeze %dma_wait3A_186 : memref<1x1x512xi32, #tpu.memory_space<hbm>> -> memref<512xi32, #tpu.memory_space<hbm>>
        %dma_wait3A_188 = tpu.memref_slice %arg3[%select_n3A, %run_scoped3A_45, %add3A_41] : memref<4x8x147456xi32, #tpu.memory_space<hbm>> -> memref<1x1x512xi32, #tpu.memory_space<hbm>>
        %dma_wait3A_189 = tpu.memref_squeeze %dma_wait3A_188 : memref<1x1x512xi32, #tpu.memory_space<hbm>> -> memref<512xi32, #tpu.memory_space<hbm>>
        tpu.wait_dma2 semaphore(%run_scoped3A_181 : memref<!tpu.dma_semaphore, #tpu.memory_space<semaphore_mem>>) src(%dma_wait3A_189 : memref<512xi32, #tpu.memory_space<hbm>>) dst(%arg10 : memref<512xi32, #tpu.memory_space<vmem>>)
        tpu.yield
      }) : () -> ()
      %run_scoped3A_46 = arith.constant 5 : i32
      "tpu.region"() ({
        %run_scoped3A_181 = tpu.sem_alloc : memref<!tpu.dma_semaphore, #tpu.memory_space<semaphore_mem>>
        %dma_start3A_182 = tpu.memref_slice %arg3[%select_n3A, %run_scoped3A_46, %add3A_41] : memref<4x8x147456xi32, #tpu.memory_space<hbm>> -> memref<1x1x512xi32, #tpu.memory_space<hbm>>
        %dma_start3A_183 = tpu.memref_squeeze %dma_start3A_182 : memref<1x1x512xi32, #tpu.memory_space<hbm>> -> memref<512xi32, #tpu.memory_space<hbm>>
        %dma_start3A_184 = tpu.memref_slice %arg3[%select_n3A, %run_scoped3A_46, %add3A_41] : memref<4x8x147456xi32, #tpu.memory_space<hbm>> -> memref<1x1x512xi32, #tpu.memory_space<hbm>>
        %dma_start3A_185 = tpu.memref_squeeze %dma_start3A_184 : memref<1x1x512xi32, #tpu.memory_space<hbm>> -> memref<512xi32, #tpu.memory_space<hbm>>
        tpu.enqueue_dma source(%dma_start3A_185 : memref<512xi32, #tpu.memory_space<hbm>>) target(%arg11 : memref<512xi32, #tpu.memory_space<vmem>>) target_semaphore(%run_scoped3A_181 : memref<!tpu.dma_semaphore, #tpu.memory_space<semaphore_mem>>)
        %dma_wait3A_186 = tpu.memref_slice %arg3[%select_n3A, %run_scoped3A_46, %add3A_41] : memref<4x8x147456xi32, #tpu.memory_space<hbm>> -> memref<1x1x512xi32, #tpu.memory_space<hbm>>
        %dma_wait3A_187 = tpu.memref_squeeze %dma_wait3A_186 : memref<1x1x512xi32, #tpu.memory_space<hbm>> -> memref<512xi32, #tpu.memory_space<hbm>>
        %dma_wait3A_188 = tpu.memref_slice %arg3[%select_n3A, %run_scoped3A_46, %add3A_41] : memref<4x8x147456xi32, #tpu.memory_space<hbm>> -> memref<1x1x512xi32, #tpu.memory_space<hbm>>
        %dma_wait3A_189 = tpu.memref_squeeze %dma_wait3A_188 : memref<1x1x512xi32, #tpu.memory_space<hbm>> -> memref<512xi32, #tpu.memory_space<hbm>>
        tpu.wait_dma2 semaphore(%run_scoped3A_181 : memref<!tpu.dma_semaphore, #tpu.memory_space<semaphore_mem>>) src(%dma_wait3A_189 : memref<512xi32, #tpu.memory_space<hbm>>) dst(%arg11 : memref<512xi32, #tpu.memory_space<vmem>>)
        tpu.yield
      }) : () -> ()
      %run_scoped3A_47 = arith.constant 6 : i32
      "tpu.region"() ({
        %run_scoped3A_181 = tpu.sem_alloc : memref<!tpu.dma_semaphore, #tpu.memory_space<semaphore_mem>>
        %dma_start3A_182 = tpu.memref_slice %arg3[%select_n3A, %run_scoped3A_47, %add3A_41] : memref<4x8x147456xi32, #tpu.memory_space<hbm>> -> memref<1x1x512xi32, #tpu.memory_space<hbm>>
        %dma_start3A_183 = tpu.memref_squeeze %dma_start3A_182 : memref<1x1x512xi32, #tpu.memory_space<hbm>> -> memref<512xi32, #tpu.memory_space<hbm>>
        %dma_start3A_184 = tpu.memref_slice %arg3[%select_n3A, %run_scoped3A_47, %add3A_41] : memref<4x8x147456xi32, #tpu.memory_space<hbm>> -> memref<1x1x512xi32, #tpu.memory_space<hbm>>
        %dma_start3A_185 = tpu.memref_squeeze %dma_start3A_184 : memref<1x1x512xi32, #tpu.memory_space<hbm>> -> memref<512xi32, #tpu.memory_space<hbm>>
        tpu.enqueue_dma source(%dma_start3A_185 : memref<512xi32, #tpu.memory_space<hbm>>) target(%arg12 : memref<512xi32, #tpu.memory_space<vmem>>) target_semaphore(%run_scoped3A_181 : memref<!tpu.dma_semaphore, #tpu.memory_space<semaphore_mem>>)
        %dma_wait3A_186 = tpu.memref_slice %arg3[%select_n3A, %run_scoped3A_47, %add3A_41] : memref<4x8x147456xi32, #tpu.memory_space<hbm>> -> memref<1x1x512xi32, #tpu.memory_space<hbm>>
        %dma_wait3A_187 = tpu.memref_squeeze %dma_wait3A_186 : memref<1x1x512xi32, #tpu.memory_space<hbm>> -> memref<512xi32, #tpu.memory_space<hbm>>
        %dma_wait3A_188 = tpu.memref_slice %arg3[%select_n3A, %run_scoped3A_47, %add3A_41] : memref<4x8x147456xi32, #tpu.memory_space<hbm>> -> memref<1x1x512xi32, #tpu.memory_space<hbm>>
        %dma_wait3A_189 = tpu.memref_squeeze %dma_wait3A_188 : memref<1x1x512xi32, #tpu.memory_space<hbm>> -> memref<512xi32, #tpu.memory_space<hbm>>
        tpu.wait_dma2 semaphore(%run_scoped3A_181 : memref<!tpu.dma_semaphore, #tpu.memory_space<semaphore_mem>>) src(%dma_wait3A_189 : memref<512xi32, #tpu.memory_space<hbm>>) dst(%arg12 : memref<512xi32, #tpu.memory_space<vmem>>)
        tpu.yield
      }) : () -> ()
      %run_scoped3A_48 = arith.constant 7 : i32
      "tpu.region"() ({
        %run_scoped3A_181 = tpu.sem_alloc : memref<!tpu.dma_semaphore, #tpu.memory_space<semaphore_mem>>
        %dma_start3A_182 = tpu.memref_slice %arg3[%select_n3A, %run_scoped3A_48, %add3A_41] : memref<4x8x147456xi32, #tpu.memory_space<hbm>> -> memref<1x1x512xi32, #tpu.memory_space<hbm>>
        %dma_start3A_183 = tpu.memref_squeeze %dma_start3A_182 : memref<1x1x512xi32, #tpu.memory_space<hbm>> -> memref<512xi32, #tpu.memory_space<hbm>>
        %dma_start3A_184 = tpu.memref_slice %arg3[%select_n3A, %run_scoped3A_48, %add3A_41] : memref<4x8x147456xi32, #tpu.memory_space<hbm>> -> memref<1x1x512xi32, #tpu.memory_space<hbm>>
        %dma_start3A_185 = tpu.memref_squeeze %dma_start3A_184 : memref<1x1x512xi32, #tpu.memory_space<hbm>> -> memref<512xi32, #tpu.memory_space<hbm>>
        tpu.enqueue_dma source(%dma_start3A_185 : memref<512xi32, #tpu.memory_space<hbm>>) target(%arg13 : memref<512xi32, #tpu.memory_space<vmem>>) target_semaphore(%run_scoped3A_181 : memref<!tpu.dma_semaphore, #tpu.memory_space<semaphore_mem>>)
        %dma_wait3A_186 = tpu.memref_slice %arg3[%select_n3A, %run_scoped3A_48, %add3A_41] : memref<4x8x147456xi32, #tpu.memory_space<hbm>> -> memref<1x1x512xi32, #tpu.memory_space<hbm>>
        %dma_wait3A_187 = tpu.memref_squeeze %dma_wait3A_186 : memref<1x1x512xi32, #tpu.memory_space<hbm>> -> memref<512xi32, #tpu.memory_space<hbm>>
        %dma_wait3A_188 = tpu.memref_slice %arg3[%select_n3A, %run_scoped3A_48, %add3A_41] : memref<4x8x147456xi32, #tpu.memory_space<hbm>> -> memref<1x1x512xi32, #tpu.memory_space<hbm>>
        %dma_wait3A_189 = tpu.memref_squeeze %dma_wait3A_188 : memref<1x1x512xi32, #tpu.memory_space<hbm>> -> memref<512xi32, #tpu.memory_space<hbm>>
        tpu.wait_dma2 semaphore(%run_scoped3A_181 : memref<!tpu.dma_semaphore, #tpu.memory_space<semaphore_mem>>) src(%dma_wait3A_189 : memref<512xi32, #tpu.memory_space<hbm>>) dst(%arg13 : memref<512xi32, #tpu.memory_space<vmem>>)
        tpu.yield
      }) : () -> ()
      "tpu.region"() ({
        %run_scoped3A_181 = tpu.sem_alloc : memref<!tpu.dma_semaphore, #tpu.memory_space<semaphore_mem>>
        %dma_start3A_182 = arith.constant 0 : i32
        %dma_start3A_183 = tpu.memref_slice %arg4[%select_n3A, %dma_start3A_182, %add3A_41] : memref<4x8x147456xf32, #tpu.memory_space<hbm>> -> memref<1x8x512xf32, #tpu.memory_space<hbm>>
        %dma_start3A_184 = tpu.memref_squeeze %dma_start3A_183 : memref<1x8x512xf32, #tpu.memory_space<hbm>> -> memref<8x512xf32, #tpu.memory_space<hbm>>
        %dma_start3A_185 = arith.constant 0 : i32
        %dma_start3A_186 = tpu.memref_slice %arg4[%select_n3A, %dma_start3A_185, %add3A_41] : memref<4x8x147456xf32, #tpu.memory_space<hbm>> -> memref<1x8x512xf32, #tpu.memory_space<hbm>>
        %dma_start3A_187 = tpu.memref_squeeze %dma_start3A_186 : memref<1x8x512xf32, #tpu.memory_space<hbm>> -> memref<8x512xf32, #tpu.memory_space<hbm>>
        tpu.enqueue_dma source(%dma_start3A_187 : memref<8x512xf32, #tpu.memory_space<hbm>>) target(%arg14 : memref<8x512xf32, #tpu.memory_space<vmem>>) target_semaphore(%run_scoped3A_181 : memref<!tpu.dma_semaphore, #tpu.memory_space<semaphore_mem>>)
        %dma_wait3A_188 = arith.constant 0 : i32
        %dma_wait3A_189 = tpu.memref_slice %arg4[%select_n3A, %dma_wait3A_188, %add3A_41] : memref<4x8x147456xf32, #tpu.memory_space<hbm>> -> memref<1x8x512xf32, #tpu.memory_space<hbm>>
        %dma_wait3A_190 = tpu.memref_squeeze %dma_wait3A_189 : memref<1x8x512xf32, #tpu.memory_space<hbm>> -> memref<8x512xf32, #tpu.memory_space<hbm>>
        %dma_wait3A_191 = arith.constant 0 : i32
        %dma_wait3A_192 = tpu.memref_slice %arg4[%select_n3A, %dma_wait3A_191, %add3A_41] : memref<4x8x147456xf32, #tpu.memory_space<hbm>> -> memref<1x8x512xf32, #tpu.memory_space<hbm>>
        %dma_wait3A_193 = tpu.memref_squeeze %dma_wait3A_192 : memref<1x8x512xf32, #tpu.memory_space<hbm>> -> memref<8x512xf32, #tpu.memory_space<hbm>>
        tpu.wait_dma2 semaphore(%run_scoped3A_181 : memref<!tpu.dma_semaphore, #tpu.memory_space<semaphore_mem>>) src(%dma_wait3A_193 : memref<8x512xf32, #tpu.memory_space<hbm>>) dst(%arg14 : memref<8x512xf32, #tpu.memory_space<vmem>>)
        tpu.yield
      }) : () -> ()
      %dma_start3A = arith.constant 0 : i32
      %dma_start3A_49 = arith.constant 0 : i32
      %dma_start3A_50 = arith.constant 0 : i32
      %dma_start3A_51 = tpu.memref_slice %arg15[%dma_start3A, %dma_start3A_49, %dma_start3A_50] : memref<8x512x16xf32, #tpu.memory_space<vmem>> -> memref<1x512x16xf32, #tpu.memory_space<vmem>>
      %dma_start3A_52 = tpu.memref_squeeze %dma_start3A_51 : memref<1x512x16xf32, #tpu.memory_space<vmem>> -> memref<512x16xf32, #tpu.memory_space<vmem>>
      %dma_start3A_53 = arith.constant 0 : i32
      %dma_start3A_54 = arith.constant 0 : i32
      %dma_start3A_55 = tpu.memref_slice %arg2[%dma_start3A_53, %dma_start3A_54] : memref<100000x16xf32, #tpu.memory_space<hbm>> -> memref<100000x16xf32, #tpu.memory_space<hbm>>
      tpu.enqueue_indirect_dma source(%dma_start3A_55 : memref<100000x16xf32, #tpu.memory_space<hbm>>) target(%dma_start3A_52 : memref<512x16xf32, #tpu.memory_space<vmem>>) offsets(%arg6 : memref<512xi32, #tpu.memory_space<vmem>>) semaphore(%arg17 : memref<!tpu.dma_semaphore, #tpu.memory_space<semaphore_mem>>)
      %dma_start3A_56 = arith.constant 1 : i32
      %dma_start3A_57 = arith.constant 0 : i32
      %dma_start3A_58 = arith.constant 0 : i32
      %dma_start3A_59 = tpu.memref_slice %arg15[%dma_start3A_56, %dma_start3A_57, %dma_start3A_58] : memref<8x512x16xf32, #tpu.memory_space<vmem>> -> memref<1x512x16xf32, #tpu.memory_space<vmem>>
      %dma_start3A_60 = tpu.memref_squeeze %dma_start3A_59 : memref<1x512x16xf32, #tpu.memory_space<vmem>> -> memref<512x16xf32, #tpu.memory_space<vmem>>
      %dma_start3A_61 = arith.constant 0 : i32
      %dma_start3A_62 = arith.constant 0 : i32
      %dma_start3A_63 = tpu.memref_slice %arg2[%dma_start3A_61, %dma_start3A_62] : memref<100000x16xf32, #tpu.memory_space<hbm>> -> memref<100000x16xf32, #tpu.memory_space<hbm>>
      tpu.enqueue_indirect_dma source(%dma_start3A_63 : memref<100000x16xf32, #tpu.memory_space<hbm>>) target(%dma_start3A_60 : memref<512x16xf32, #tpu.memory_space<vmem>>) offsets(%arg7 : memref<512xi32, #tpu.memory_space<vmem>>) semaphore(%arg17 : memref<!tpu.dma_semaphore, #tpu.memory_space<semaphore_mem>>)
      %dma_start3A_64 = arith.constant 2 : i32
      %dma_start3A_65 = arith.constant 0 : i32
      %dma_start3A_66 = arith.constant 0 : i32
      %dma_start3A_67 = tpu.memref_slice %arg15[%dma_start3A_64, %dma_start3A_65, %dma_start3A_66] : memref<8x512x16xf32, #tpu.memory_space<vmem>> -> memref<1x512x16xf32, #tpu.memory_space<vmem>>
      %dma_start3A_68 = tpu.memref_squeeze %dma_start3A_67 : memref<1x512x16xf32, #tpu.memory_space<vmem>> -> memref<512x16xf32, #tpu.memory_space<vmem>>
      %dma_start3A_69 = arith.constant 0 : i32
      %dma_start3A_70 = arith.constant 0 : i32
      %dma_start3A_71 = tpu.memref_slice %arg2[%dma_start3A_69, %dma_start3A_70] : memref<100000x16xf32, #tpu.memory_space<hbm>> -> memref<100000x16xf32, #tpu.memory_space<hbm>>
      tpu.enqueue_indirect_dma source(%dma_start3A_71 : memref<100000x16xf32, #tpu.memory_space<hbm>>) target(%dma_start3A_68 : memref<512x16xf32, #tpu.memory_space<vmem>>) offsets(%arg8 : memref<512xi32, #tpu.memory_space<vmem>>) semaphore(%arg17 : memref<!tpu.dma_semaphore, #tpu.memory_space<semaphore_mem>>)
      %dma_start3A_72 = arith.constant 3 : i32
      %dma_start3A_73 = arith.constant 0 : i32
      %dma_start3A_74 = arith.constant 0 : i32
      %dma_start3A_75 = tpu.memref_slice %arg15[%dma_start3A_72, %dma_start3A_73, %dma_start3A_74] : memref<8x512x16xf32, #tpu.memory_space<vmem>> -> memref<1x512x16xf32, #tpu.memory_space<vmem>>
      %dma_start3A_76 = tpu.memref_squeeze %dma_start3A_75 : memref<1x512x16xf32, #tpu.memory_space<vmem>> -> memref<512x16xf32, #tpu.memory_space<vmem>>
      %dma_start3A_77 = arith.constant 0 : i32
      %dma_start3A_78 = arith.constant 0 : i32
      %dma_start3A_79 = tpu.memref_slice %arg2[%dma_start3A_77, %dma_start3A_78] : memref<100000x16xf32, #tpu.memory_space<hbm>> -> memref<100000x16xf32, #tpu.memory_space<hbm>>
      tpu.enqueue_indirect_dma source(%dma_start3A_79 : memref<100000x16xf32, #tpu.memory_space<hbm>>) target(%dma_start3A_76 : memref<512x16xf32, #tpu.memory_space<vmem>>) offsets(%arg9 : memref<512xi32, #tpu.memory_space<vmem>>) semaphore(%arg17 : memref<!tpu.dma_semaphore, #tpu.memory_space<semaphore_mem>>)
      %dma_start3A_80 = arith.constant 4 : i32
      %dma_start3A_81 = arith.constant 0 : i32
      %dma_start3A_82 = arith.constant 0 : i32
      %dma_start3A_83 = tpu.memref_slice %arg15[%dma_start3A_80, %dma_start3A_81, %dma_start3A_82] : memref<8x512x16xf32, #tpu.memory_space<vmem>> -> memref<1x512x16xf32, #tpu.memory_space<vmem>>
      %dma_start3A_84 = tpu.memref_squeeze %dma_start3A_83 : memref<1x512x16xf32, #tpu.memory_space<vmem>> -> memref<512x16xf32, #tpu.memory_space<vmem>>
      %dma_start3A_85 = arith.constant 0 : i32
      %dma_start3A_86 = arith.constant 0 : i32
      %dma_start3A_87 = tpu.memref_slice %arg2[%dma_start3A_85, %dma_start3A_86] : memref<100000x16xf32, #tpu.memory_space<hbm>> -> memref<100000x16xf32, #tpu.memory_space<hbm>>
      tpu.enqueue_indirect_dma source(%dma_start3A_87 : memref<100000x16xf32, #tpu.memory_space<hbm>>) target(%dma_start3A_84 : memref<512x16xf32, #tpu.memory_space<vmem>>) offsets(%arg10 : memref<512xi32, #tpu.memory_space<vmem>>) semaphore(%arg17 : memref<!tpu.dma_semaphore, #tpu.memory_space<semaphore_mem>>)
      %dma_start3A_88 = arith.constant 5 : i32
      %dma_start3A_89 = arith.constant 0 : i32
      %dma_start3A_90 = arith.constant 0 : i32
      %dma_start3A_91 = tpu.memref_slice %arg15[%dma_start3A_88, %dma_start3A_89, %dma_start3A_90] : memref<8x512x16xf32, #tpu.memory_space<vmem>> -> memref<1x512x16xf32, #tpu.memory_space<vmem>>
      %dma_start3A_92 = tpu.memref_squeeze %dma_start3A_91 : memref<1x512x16xf32, #tpu.memory_space<vmem>> -> memref<512x16xf32, #tpu.memory_space<vmem>>
      %dma_start3A_93 = arith.constant 0 : i32
      %dma_start3A_94 = arith.constant 0 : i32
      %dma_start3A_95 = tpu.memref_slice %arg2[%dma_start3A_93, %dma_start3A_94] : memref<100000x16xf32, #tpu.memory_space<hbm>> -> memref<100000x16xf32, #tpu.memory_space<hbm>>
      tpu.enqueue_indirect_dma source(%dma_start3A_95 : memref<100000x16xf32, #tpu.memory_space<hbm>>) target(%dma_start3A_92 : memref<512x16xf32, #tpu.memory_space<vmem>>) offsets(%arg11 : memref<512xi32, #tpu.memory_space<vmem>>) semaphore(%arg17 : memref<!tpu.dma_semaphore, #tpu.memory_space<semaphore_mem>>)
      %dma_start3A_96 = arith.constant 6 : i32
      %dma_start3A_97 = arith.constant 0 : i32
      %dma_start3A_98 = arith.constant 0 : i32
      %dma_start3A_99 = tpu.memref_slice %arg15[%dma_start3A_96, %dma_start3A_97, %dma_start3A_98] : memref<8x512x16xf32, #tpu.memory_space<vmem>> -> memref<1x512x16xf32, #tpu.memory_space<vmem>>
      %dma_start3A_100 = tpu.memref_squeeze %dma_start3A_99 : memref<1x512x16xf32, #tpu.memory_space<vmem>> -> memref<512x16xf32, #tpu.memory_space<vmem>>
      %dma_start3A_101 = arith.constant 0 : i32
      %dma_start3A_102 = arith.constant 0 : i32
      %dma_start3A_103 = tpu.memref_slice %arg2[%dma_start3A_101, %dma_start3A_102] : memref<100000x16xf32, #tpu.memory_space<hbm>> -> memref<100000x16xf32, #tpu.memory_space<hbm>>
      tpu.enqueue_indirect_dma source(%dma_start3A_103 : memref<100000x16xf32, #tpu.memory_space<hbm>>) target(%dma_start3A_100 : memref<512x16xf32, #tpu.memory_space<vmem>>) offsets(%arg12 : memref<512xi32, #tpu.memory_space<vmem>>) semaphore(%arg17 : memref<!tpu.dma_semaphore, #tpu.memory_space<semaphore_mem>>)
      %dma_start3A_104 = arith.constant 7 : i32
      %dma_start3A_105 = arith.constant 0 : i32
      %dma_start3A_106 = arith.constant 0 : i32
      %dma_start3A_107 = tpu.memref_slice %arg15[%dma_start3A_104, %dma_start3A_105, %dma_start3A_106] : memref<8x512x16xf32, #tpu.memory_space<vmem>> -> memref<1x512x16xf32, #tpu.memory_space<vmem>>
      %dma_start3A_108 = tpu.memref_squeeze %dma_start3A_107 : memref<1x512x16xf32, #tpu.memory_space<vmem>> -> memref<512x16xf32, #tpu.memory_space<vmem>>
      %dma_start3A_109 = arith.constant 0 : i32
      %dma_start3A_110 = arith.constant 0 : i32
      %dma_start3A_111 = tpu.memref_slice %arg2[%dma_start3A_109, %dma_start3A_110] : memref<100000x16xf32, #tpu.memory_space<hbm>> -> memref<100000x16xf32, #tpu.memory_space<hbm>>
      tpu.enqueue_indirect_dma source(%dma_start3A_111 : memref<100000x16xf32, #tpu.memory_space<hbm>>) target(%dma_start3A_108 : memref<512x16xf32, #tpu.memory_space<vmem>>) offsets(%arg13 : memref<512xi32, #tpu.memory_space<vmem>>) semaphore(%arg17 : memref<!tpu.dma_semaphore, #tpu.memory_space<semaphore_mem>>)
      %dma_wait3A = arith.constant 0 : i32
      %dma_wait3A_112 = arith.constant 0 : i32
      %dma_wait3A_113 = arith.constant 0 : i32
      %dma_wait3A_114 = tpu.memref_slice %arg15[%dma_wait3A, %dma_wait3A_112, %dma_wait3A_113] : memref<8x512x16xf32, #tpu.memory_space<vmem>> -> memref<1x512x16xf32, #tpu.memory_space<vmem>>
      %dma_wait3A_115 = tpu.memref_squeeze %dma_wait3A_114 : memref<1x512x16xf32, #tpu.memory_space<vmem>> -> memref<512x16xf32, #tpu.memory_space<vmem>>
      %dma_wait3A_116 = arith.constant 0 : i32
      %dma_wait3A_117 = arith.constant 0 : i32
      %dma_wait3A_118 = tpu.memref_slice %arg2[%dma_wait3A_116, %dma_wait3A_117] : memref<100000x16xf32, #tpu.memory_space<hbm>> -> memref<100000x16xf32, #tpu.memory_space<hbm>>
      tpu.wait_indirect_dma semaphore(%arg17 : memref<!tpu.dma_semaphore, #tpu.memory_space<semaphore_mem>>) src(%dma_wait3A_118 : memref<100000x16xf32, #tpu.memory_space<hbm>>) dst(%dma_wait3A_115 : memref<512x16xf32, #tpu.memory_space<vmem>>)
      %dma_wait3A_119 = arith.constant 1 : i32
      %dma_wait3A_120 = arith.constant 0 : i32
      %dma_wait3A_121 = arith.constant 0 : i32
      %dma_wait3A_122 = tpu.memref_slice %arg15[%dma_wait3A_119, %dma_wait3A_120, %dma_wait3A_121] : memref<8x512x16xf32, #tpu.memory_space<vmem>> -> memref<1x512x16xf32, #tpu.memory_space<vmem>>
      %dma_wait3A_123 = tpu.memref_squeeze %dma_wait3A_122 : memref<1x512x16xf32, #tpu.memory_space<vmem>> -> memref<512x16xf32, #tpu.memory_space<vmem>>
      %dma_wait3A_124 = arith.constant 0 : i32
      %dma_wait3A_125 = arith.constant 0 : i32
      %dma_wait3A_126 = tpu.memref_slice %arg2[%dma_wait3A_124, %dma_wait3A_125] : memref<100000x16xf32, #tpu.memory_space<hbm>> -> memref<100000x16xf32, #tpu.memory_space<hbm>>
      tpu.wait_indirect_dma semaphore(%arg17 : memref<!tpu.dma_semaphore, #tpu.memory_space<semaphore_mem>>) src(%dma_wait3A_126 : memref<100000x16xf32, #tpu.memory_space<hbm>>) dst(%dma_wait3A_123 : memref<512x16xf32, #tpu.memory_space<vmem>>)
      %dma_wait3A_127 = arith.constant 2 : i32
      %dma_wait3A_128 = arith.constant 0 : i32
      %dma_wait3A_129 = arith.constant 0 : i32
      %dma_wait3A_130 = tpu.memref_slice %arg15[%dma_wait3A_127, %dma_wait3A_128, %dma_wait3A_129] : memref<8x512x16xf32, #tpu.memory_space<vmem>> -> memref<1x512x16xf32, #tpu.memory_space<vmem>>
      %dma_wait3A_131 = tpu.memref_squeeze %dma_wait3A_130 : memref<1x512x16xf32, #tpu.memory_space<vmem>> -> memref<512x16xf32, #tpu.memory_space<vmem>>
      %dma_wait3A_132 = arith.constant 0 : i32
      %dma_wait3A_133 = arith.constant 0 : i32
      %dma_wait3A_134 = tpu.memref_slice %arg2[%dma_wait3A_132, %dma_wait3A_133] : memref<100000x16xf32, #tpu.memory_space<hbm>> -> memref<100000x16xf32, #tpu.memory_space<hbm>>
      tpu.wait_indirect_dma semaphore(%arg17 : memref<!tpu.dma_semaphore, #tpu.memory_space<semaphore_mem>>) src(%dma_wait3A_134 : memref<100000x16xf32, #tpu.memory_space<hbm>>) dst(%dma_wait3A_131 : memref<512x16xf32, #tpu.memory_space<vmem>>)
      %dma_wait3A_135 = arith.constant 3 : i32
      %dma_wait3A_136 = arith.constant 0 : i32
      %dma_wait3A_137 = arith.constant 0 : i32
      %dma_wait3A_138 = tpu.memref_slice %arg15[%dma_wait3A_135, %dma_wait3A_136, %dma_wait3A_137] : memref<8x512x16xf32, #tpu.memory_space<vmem>> -> memref<1x512x16xf32, #tpu.memory_space<vmem>>
      %dma_wait3A_139 = tpu.memref_squeeze %dma_wait3A_138 : memref<1x512x16xf32, #tpu.memory_space<vmem>> -> memref<512x16xf32, #tpu.memory_space<vmem>>
      %dma_wait3A_140 = arith.constant 0 : i32
      %dma_wait3A_141 = arith.constant 0 : i32
      %dma_wait3A_142 = tpu.memref_slice %arg2[%dma_wait3A_140, %dma_wait3A_141] : memref<100000x16xf32, #tpu.memory_space<hbm>> -> memref<100000x16xf32, #tpu.memory_space<hbm>>
      tpu.wait_indirect_dma semaphore(%arg17 : memref<!tpu.dma_semaphore, #tpu.memory_space<semaphore_mem>>) src(%dma_wait3A_142 : memref<100000x16xf32, #tpu.memory_space<hbm>>) dst(%dma_wait3A_139 : memref<512x16xf32, #tpu.memory_space<vmem>>)
      %dma_wait3A_143 = arith.constant 4 : i32
      %dma_wait3A_144 = arith.constant 0 : i32
      %dma_wait3A_145 = arith.constant 0 : i32
      %dma_wait3A_146 = tpu.memref_slice %arg15[%dma_wait3A_143, %dma_wait3A_144, %dma_wait3A_145] : memref<8x512x16xf32, #tpu.memory_space<vmem>> -> memref<1x512x16xf32, #tpu.memory_space<vmem>>
      %dma_wait3A_147 = tpu.memref_squeeze %dma_wait3A_146 : memref<1x512x16xf32, #tpu.memory_space<vmem>> -> memref<512x16xf32, #tpu.memory_space<vmem>>
      %dma_wait3A_148 = arith.constant 0 : i32
      %dma_wait3A_149 = arith.constant 0 : i32
      %dma_wait3A_150 = tpu.memref_slice %arg2[%dma_wait3A_148, %dma_wait3A_149] : memref<100000x16xf32, #tpu.memory_space<hbm>> -> memref<100000x16xf32, #tpu.memory_space<hbm>>
      tpu.wait_indirect_dma semaphore(%arg17 : memref<!tpu.dma_semaphore, #tpu.memory_space<semaphore_mem>>) src(%dma_wait3A_150 : memref<100000x16xf32, #tpu.memory_space<hbm>>) dst(%dma_wait3A_147 : memref<512x16xf32, #tpu.memory_space<vmem>>)
      %dma_wait3A_151 = arith.constant 5 : i32
      %dma_wait3A_152 = arith.constant 0 : i32
      %dma_wait3A_153 = arith.constant 0 : i32
      %dma_wait3A_154 = tpu.memref_slice %arg15[%dma_wait3A_151, %dma_wait3A_152, %dma_wait3A_153] : memref<8x512x16xf32, #tpu.memory_space<vmem>> -> memref<1x512x16xf32, #tpu.memory_space<vmem>>
      %dma_wait3A_155 = tpu.memref_squeeze %dma_wait3A_154 : memref<1x512x16xf32, #tpu.memory_space<vmem>> -> memref<512x16xf32, #tpu.memory_space<vmem>>
      %dma_wait3A_156 = arith.constant 0 : i32
      %dma_wait3A_157 = arith.constant 0 : i32
      %dma_wait3A_158 = tpu.memref_slice %arg2[%dma_wait3A_156, %dma_wait3A_157] : memref<100000x16xf32, #tpu.memory_space<hbm>> -> memref<100000x16xf32, #tpu.memory_space<hbm>>
      tpu.wait_indirect_dma semaphore(%arg17 : memref<!tpu.dma_semaphore, #tpu.memory_space<semaphore_mem>>) src(%dma_wait3A_158 : memref<100000x16xf32, #tpu.memory_space<hbm>>) dst(%dma_wait3A_155 : memref<512x16xf32, #tpu.memory_space<vmem>>)
      %dma_wait3A_159 = arith.constant 6 : i32
      %dma_wait3A_160 = arith.constant 0 : i32
      %dma_wait3A_161 = arith.constant 0 : i32
      %dma_wait3A_162 = tpu.memref_slice %arg15[%dma_wait3A_159, %dma_wait3A_160, %dma_wait3A_161] : memref<8x512x16xf32, #tpu.memory_space<vmem>> -> memref<1x512x16xf32, #tpu.memory_space<vmem>>
      %dma_wait3A_163 = tpu.memref_squeeze %dma_wait3A_162 : memref<1x512x16xf32, #tpu.memory_space<vmem>> -> memref<512x16xf32, #tpu.memory_space<vmem>>
      %dma_wait3A_164 = arith.constant 0 : i32
      %dma_wait3A_165 = arith.constant 0 : i32
      %dma_wait3A_166 = tpu.memref_slice %arg2[%dma_wait3A_164, %dma_wait3A_165] : memref<100000x16xf32, #tpu.memory_space<hbm>> -> memref<100000x16xf32, #tpu.memory_space<hbm>>
      tpu.wait_indirect_dma semaphore(%arg17 : memref<!tpu.dma_semaphore, #tpu.memory_space<semaphore_mem>>) src(%dma_wait3A_166 : memref<100000x16xf32, #tpu.memory_space<hbm>>) dst(%dma_wait3A_163 : memref<512x16xf32, #tpu.memory_space<vmem>>)
      %dma_wait3A_167 = arith.constant 7 : i32
      %dma_wait3A_168 = arith.constant 0 : i32
      %dma_wait3A_169 = arith.constant 0 : i32
      %dma_wait3A_170 = tpu.memref_slice %arg15[%dma_wait3A_167, %dma_wait3A_168, %dma_wait3A_169] : memref<8x512x16xf32, #tpu.memory_space<vmem>> -> memref<1x512x16xf32, #tpu.memory_space<vmem>>
      %dma_wait3A_171 = tpu.memref_squeeze %dma_wait3A_170 : memref<1x512x16xf32, #tpu.memory_space<vmem>> -> memref<512x16xf32, #tpu.memory_space<vmem>>
      %dma_wait3A_172 = arith.constant 0 : i32
      %dma_wait3A_173 = arith.constant 0 : i32
      %dma_wait3A_174 = tpu.memref_slice %arg2[%dma_wait3A_172, %dma_wait3A_173] : memref<100000x16xf32, #tpu.memory_space<hbm>> -> memref<100000x16xf32, #tpu.memory_space<hbm>>
      tpu.wait_indirect_dma semaphore(%arg17 : memref<!tpu.dma_semaphore, #tpu.memory_space<semaphore_mem>>) src(%dma_wait3A_174 : memref<100000x16xf32, #tpu.memory_space<hbm>>) dst(%dma_wait3A_171 : memref<512x16xf32, #tpu.memory_space<vmem>>)
      %scan3A_175 = arith.constant 0 : i32
      %scan3A_176 = arith.constant 0 : i32
      %scan3A_177 = arith.constant 32 : i32
      %scan3A_178 = arith.addi %scan3A_176, %scan3A_177 : i32
      %scan3A_179 = arith.constant 1 : i32
      scf.for %scan3A_181 = %scan3A_176 to %scan3A_178 step %scan3A_179  : i32 {
        %mul3A_182 = arith.constant 16 : i32
        %mul3A_183 = arith.muli %scan3A_181, %mul3A_182 : i32
        %iota3A = tpu.iota {dimensions = array<i32: 0>} : vector<16xi32>
        %get3A = arith.constant 0 : i32
        %get3A_184 = arith.index_cast %get3A : i32 to index
        %get3A_185 = arith.index_cast %mul3A_183 : i32 to index
        %get3A_186 = tpu.vector_load %arg14[%get3A_184, %get3A_185] {strides = array<i32>} : memref<8x512xf32, #tpu.memory_space<vmem>>, vector<16xf32>,
        %lt3A_187 = arith.constant 0.000000e+00 : f32
        %lt3A_188 = vector.broadcast %lt3A_187 : f32 to vector<16xf32>
        %lt3A_189 = arith.cmpf olt, %get3A_186, %lt3A_188 : vector<16xf32>
        %jit3A_190 = arith.constant -9.99999974E-5 : f32
        %broadcast_in_dim3A = vector.broadcast %jit3A_190 : f32 to vector<16xf32>
        %select_n3A_191 = arith.select %lt3A_189, %broadcast_in_dim3A, %get3A_186 : vector<16xi1>, vector<16xf32>
        %add3A_192 = arith.constant 9.99999997E-7 : f32
        %add3A_193 = vector.broadcast %add3A_192 : f32 to vector<16xf32>
        %add3A_194 = arith.addf %select_n3A_191, %add3A_193 : vector<16xf32>
        %div3A_195 = arith.constant 1.000000e+00 : f32
        %div3A_196 = vector.broadcast %div3A_195 : f32 to vector<16xf32>
        %div3A_197 = arith.divf %div3A_196, %add3A_194 : vector<16xf32>
        %get3A_198 = arith.constant 1 : i32
        %get3A_199 = arith.index_cast %get3A_198 : i32 to index
        %get3A_200 = arith.index_cast %mul3A_183 : i32 to index
        %get3A_201 = tpu.vector_load %arg14[%get3A_199, %get3A_200] {strides = array<i32>} : memref<8x512xf32, #tpu.memory_space<vmem>>, vector<16xf32>,
        %lt3A_202 = arith.constant 0.000000e+00 : f32
        %lt3A_203 = vector.broadcast %lt3A_202 : f32 to vector<16xf32>
        %lt3A_204 = arith.cmpf olt, %get3A_201, %lt3A_203 : vector<16xf32>
        %jit3A_205 = arith.constant -9.99999974E-5 : f32
        %broadcast_in_dim3A_206 = vector.broadcast %jit3A_205 : f32 to vector<16xf32>
        %select_n3A_207 = arith.select %lt3A_204, %broadcast_in_dim3A_206, %get3A_201 : vector<16xi1>, vector<16xf32>
        %add3A_208 = arith.constant 9.99999997E-7 : f32
        %add3A_209 = vector.broadcast %add3A_208 : f32 to vector<16xf32>
        %add3A_210 = arith.addf %select_n3A_207, %add3A_209 : vector<16xf32>
        %div3A_211 = arith.constant 1.000000e+00 : f32
        %div3A_212 = vector.broadcast %div3A_211 : f32 to vector<16xf32>
        %div3A_213 = arith.divf %div3A_212, %add3A_210 : vector<16xf32>
        %get3A_214 = arith.constant 2 : i32
        %get3A_215 = arith.index_cast %get3A_214 : i32 to index
        %get3A_216 = arith.index_cast %mul3A_183 : i32 to index
        %get3A_217 = tpu.vector_load %arg14[%get3A_215, %get3A_216] {strides = array<i32>} : memref<8x512xf32, #tpu.memory_space<vmem>>, vector<16xf32>,
        %lt3A_218 = arith.constant 0.000000e+00 : f32
        %lt3A_219 = vector.broadcast %lt3A_218 : f32 to vector<16xf32>
        %lt3A_220 = arith.cmpf olt, %get3A_217, %lt3A_219 : vector<16xf32>
        %jit3A_221 = arith.constant -9.99999974E-5 : f32
        %broadcast_in_dim3A_222 = vector.broadcast %jit3A_221 : f32 to vector<16xf32>
        %select_n3A_223 = arith.select %lt3A_220, %broadcast_in_dim3A_222, %get3A_217 : vector<16xi1>, vector<16xf32>
        %add3A_224 = arith.constant 9.99999997E-7 : f32
        %add3A_225 = vector.broadcast %add3A_224 : f32 to vector<16xf32>
        %add3A_226 = arith.addf %select_n3A_223, %add3A_225 : vector<16xf32>
        %div3A_227 = arith.constant 1.000000e+00 : f32
        %div3A_228 = vector.broadcast %div3A_227 : f32 to vector<16xf32>
        %div3A_229 = arith.divf %div3A_228, %add3A_226 : vector<16xf32>
        %get3A_230 = arith.constant 3 : i32
        %get3A_231 = arith.index_cast %get3A_230 : i32 to index
        %get3A_232 = arith.index_cast %mul3A_183 : i32 to index
        %get3A_233 = tpu.vector_load %arg14[%get3A_231, %get3A_232] {strides = array<i32>} : memref<8x512xf32, #tpu.memory_space<vmem>>, vector<16xf32>,
        %lt3A_234 = arith.constant 0.000000e+00 : f32
        %lt3A_235 = vector.broadcast %lt3A_234 : f32 to vector<16xf32>
        %lt3A_236 = arith.cmpf olt, %get3A_233, %lt3A_235 : vector<16xf32>
        %jit3A_237 = arith.constant -9.99999974E-5 : f32
        %broadcast_in_dim3A_238 = vector.broadcast %jit3A_237 : f32 to vector<16xf32>
        %select_n3A_239 = arith.select %lt3A_236, %broadcast_in_dim3A_238, %get3A_233 : vector<16xi1>, vector<16xf32>
        %add3A_240 = arith.constant 9.99999997E-7 : f32
        %add3A_241 = vector.broadcast %add3A_240 : f32 to vector<16xf32>
        %add3A_242 = arith.addf %select_n3A_239, %add3A_241 : vector<16xf32>
        %div3A_243 = arith.constant 1.000000e+00 : f32
        %div3A_244 = vector.broadcast %div3A_243 : f32 to vector<16xf32>
        %div3A_245 = arith.divf %div3A_244, %add3A_242 : vector<16xf32>
        %get3A_246 = arith.constant 4 : i32
        %get3A_247 = arith.index_cast %get3A_246 : i32 to index
        %get3A_248 = arith.index_cast %mul3A_183 : i32 to index
        %get3A_249 = tpu.vector_load %arg14[%get3A_247, %get3A_248] {strides = array<i32>} : memref<8x512xf32, #tpu.memory_space<vmem>>, vector<16xf32>,
        %lt3A_250 = arith.constant 0.000000e+00 : f32
        %lt3A_251 = vector.broadcast %lt3A_250 : f32 to vector<16xf32>
        %lt3A_252 = arith.cmpf olt, %get3A_249, %lt3A_251 : vector<16xf32>
        %jit3A_253 = arith.constant -9.99999974E-5 : f32
        %broadcast_in_dim3A_254 = vector.broadcast %jit3A_253 : f32 to vector<16xf32>
        %select_n3A_255 = arith.select %lt3A_252, %broadcast_in_dim3A_254, %get3A_249 : vector<16xi1>, vector<16xf32>
        %add3A_256 = arith.constant 9.99999997E-7 : f32
        %add3A_257 = vector.broadcast %add3A_256 : f32 to vector<16xf32>
        %add3A_258 = arith.addf %select_n3A_255, %add3A_257 : vector<16xf32>
        %div3A_259 = arith.constant 1.000000e+00 : f32
        %div3A_260 = vector.broadcast %div3A_259 : f32 to vector<16xf32>
        %div3A_261 = arith.divf %div3A_260, %add3A_258 : vector<16xf32>
        %get3A_262 = arith.constant 5 : i32
        %get3A_263 = arith.index_cast %get3A_262 : i32 to index
        %get3A_264 = arith.index_cast %mul3A_183 : i32 to index
        %get3A_265 = tpu.vector_load %arg14[%get3A_263, %get3A_264] {strides = array<i32>} : memref<8x512xf32, #tpu.memory_space<vmem>>, vector<16xf32>,
        %lt3A_266 = arith.constant 0.000000e+00 : f32
        %lt3A_267 = vector.broadcast %lt3A_266 : f32 to vector<16xf32>
        %lt3A_268 = arith.cmpf olt, %get3A_265, %lt3A_267 : vector<16xf32>
        %jit3A_269 = arith.constant -9.99999974E-5 : f32
        %broadcast_in_dim3A_270 = vector.broadcast %jit3A_269 : f32 to vector<16xf32>
        %select_n3A_271 = arith.select %lt3A_268, %broadcast_in_dim3A_270, %get3A_265 : vector<16xi1>, vector<16xf32>
        %add3A_272 = arith.constant 9.99999997E-7 : f32
        %add3A_273 = vector.broadcast %add3A_272 : f32 to vector<16xf32>
        %add3A_274 = arith.addf %select_n3A_271, %add3A_273 : vector<16xf32>
        %div3A_275 = arith.constant 1.000000e+00 : f32
        %div3A_276 = vector.broadcast %div3A_275 : f32 to vector<16xf32>
        %div3A_277 = arith.divf %div3A_276, %add3A_274 : vector<16xf32>
        %get3A_278 = arith.constant 6 : i32
        %get3A_279 = arith.index_cast %get3A_278 : i32 to index
        %get3A_280 = arith.index_cast %mul3A_183 : i32 to index
        %get3A_281 = tpu.vector_load %arg14[%get3A_279, %get3A_280] {strides = array<i32>} : memref<8x512xf32, #tpu.memory_space<vmem>>, vector<16xf32>,
        %lt3A_282 = arith.constant 0.000000e+00 : f32
        %lt3A_283 = vector.broadcast %lt3A_282 : f32 to vector<16xf32>
        %lt3A_284 = arith.cmpf olt, %get3A_281, %lt3A_283 : vector<16xf32>
        %jit3A_285 = arith.constant -9.99999974E-5 : f32
        %broadcast_in_dim3A_286 = vector.broadcast %jit3A_285 : f32 to vector<16xf32>
        %select_n3A_287 = arith.select %lt3A_284, %broadcast_in_dim3A_286, %get3A_281 : vector<16xi1>, vector<16xf32>
        %add3A_288 = arith.constant 9.99999997E-7 : f32
        %add3A_289 = vector.broadcast %add3A_288 : f32 to vector<16xf32>
        %add3A_290 = arith.addf %select_n3A_287, %add3A_289 : vector<16xf32>
        %div3A_291 = arith.constant 1.000000e+00 : f32
        %div3A_292 = vector.broadcast %div3A_291 : f32 to vector<16xf32>
        %div3A_293 = arith.divf %div3A_292, %add3A_290 : vector<16xf32>
        %get3A_294 = arith.constant 7 : i32
        %get3A_295 = arith.index_cast %get3A_294 : i32 to index
        %get3A_296 = arith.index_cast %mul3A_183 : i32 to index
        %get3A_297 = tpu.vector_load %arg14[%get3A_295, %get3A_296] {strides = array<i32>} : memref<8x512xf32, #tpu.memory_space<vmem>>, vector<16xf32>,
        %lt3A_298 = arith.constant 0.000000e+00 : f32
        %lt3A_299 = vector.broadcast %lt3A_298 : f32 to vector<16xf32>
        %lt3A_300 = arith.cmpf olt, %get3A_297, %lt3A_299 : vector<16xf32>
        %jit3A_301 = arith.constant -9.99999974E-5 : f32
        %broadcast_in_dim3A_302 = vector.broadcast %jit3A_301 : f32 to vector<16xf32>
        %select_n3A_303 = arith.select %lt3A_300, %broadcast_in_dim3A_302, %get3A_297 : vector<16xi1>, vector<16xf32>
        %add3A_304 = arith.constant 9.99999997E-7 : f32
        %add3A_305 = vector.broadcast %add3A_304 : f32 to vector<16xf32>
        %add3A_306 = arith.addf %select_n3A_303, %add3A_305 : vector<16xf32>
        %div3A_307 = arith.constant 1.000000e+00 : f32
        %div3A_308 = vector.broadcast %div3A_307 : f32 to vector<16xf32>
        %div3A_309 = arith.divf %div3A_308, %add3A_306 : vector<16xf32>
        %max3A = arith.maximumf %div3A_197, %div3A_213 : vector<16xf32>
        %max3A_310 = arith.maximumf %max3A, %div3A_229 : vector<16xf32>
        %max3A_311 = arith.maximumf %max3A_310, %div3A_245 : vector<16xf32>
        %max3A_312 = arith.maximumf %max3A_311, %div3A_261 : vector<16xf32>
        %max3A_313 = arith.maximumf %max3A_312, %div3A_277 : vector<16xf32>
        %max3A_314 = arith.maximumf %max3A_313, %div3A_293 : vector<16xf32>
        %max3A_315 = arith.maximumf %max3A_314, %div3A_309 : vector<16xf32>
        %sub3A_316 = arith.subf %div3A_197, %max3A_315 : vector<16xf32>
        %exp3A = math.exp %sub3A_316 : vector<16xf32>
        %sub3A_317 = arith.subf %div3A_213, %max3A_315 : vector<16xf32>
        %exp3A_318 = math.exp %sub3A_317 : vector<16xf32>
        %sub3A_319 = arith.subf %div3A_229, %max3A_315 : vector<16xf32>
        %exp3A_320 = math.exp %sub3A_319 : vector<16xf32>
        %sub3A_321 = arith.subf %div3A_245, %max3A_315 : vector<16xf32>
        %exp3A_322 = math.exp %sub3A_321 : vector<16xf32>
        %sub3A_323 = arith.subf %div3A_261, %max3A_315 : vector<16xf32>
        %exp3A_324 = math.exp %sub3A_323 : vector<16xf32>
        %sub3A_325 = arith.subf %div3A_277, %max3A_315 : vector<16xf32>
        %exp3A_326 = math.exp %sub3A_325 : vector<16xf32>
        %sub3A_327 = arith.subf %div3A_293, %max3A_315 : vector<16xf32>
        %exp3A_328 = math.exp %sub3A_327 : vector<16xf32>
        %sub3A_329 = arith.subf %div3A_309, %max3A_315 : vector<16xf32>
        %exp3A_330 = math.exp %sub3A_329 : vector<16xf32>
        %add3A_331 = arith.addf %exp3A, %exp3A_318 : vector<16xf32>
        %add3A_332 = arith.addf %add3A_331, %exp3A_320 : vector<16xf32>
        %add3A_333 = arith.addf %add3A_332, %exp3A_322 : vector<16xf32>
        %add3A_334 = arith.addf %add3A_333, %exp3A_324 : vector<16xf32>
        %add3A_335 = arith.addf %add3A_334, %exp3A_326 : vector<16xf32>
        %add3A_336 = arith.addf %add3A_335, %exp3A_328 : vector<16xf32>
        %add3A_337 = arith.addf %add3A_336, %exp3A_330 : vector<16xf32>
        %div3A_338 = arith.constant 1.000000e+00 : f32
        %div3A_339 = vector.broadcast %div3A_338 : f32 to vector<16xf32>
        %div3A_340 = arith.divf %div3A_339, %add3A_337 : vector<16xf32>
        %mul3A_341 = arith.mulf %exp3A, %div3A_340 : vector<16xf32>
        %mul3A_342 = arith.mulf %exp3A_318, %div3A_340 : vector<16xf32>
        %mul3A_343 = arith.mulf %exp3A_320, %div3A_340 : vector<16xf32>
        %mul3A_344 = arith.mulf %exp3A_322, %div3A_340 : vector<16xf32>
        %mul3A_345 = arith.mulf %exp3A_324, %div3A_340 : vector<16xf32>
        %mul3A_346 = arith.mulf %exp3A_326, %div3A_340 : vector<16xf32>
        %mul3A_347 = arith.mulf %exp3A_328, %div3A_340 : vector<16xf32>
        %mul3A_348 = arith.mulf %exp3A_330, %div3A_340 : vector<16xf32>
        %add3A_349 = vector.broadcast %mul3A_183 : i32 to vector<16xi32>
        %add3A_350 = arith.addi %iota3A, %add3A_349 : vector<16xi32>
        %broadcast_in_dim3A_351 = arith.constant 0 : i32
        %broadcast_in_dim3A_352 = vector.broadcast %broadcast_in_dim3A_351 : i32 to vector<16xi32>
        %broadcast_in_dim3A_353 = arith.constant 0 : i32
        %broadcast_in_dim3A_354 = vector.broadcast %broadcast_in_dim3A_353 : i32 to vector<16xi32>
        %gather3A = tpu.vector_load_idx %arg15[%broadcast_in_dim3A_354, %add3A_350, %broadcast_in_dim3A_352] : memref<8x512x16xf32, #tpu.memory_space<vmem>>[vector<16xi32>, vector<16xi32>, vector<16xi32>], vector<16xf32>,
        %mul3A_355 = arith.mulf %mul3A_341, %gather3A : vector<16xf32>
        %broadcast_in_dim3A_356 = arith.constant 1 : i32
        %broadcast_in_dim3A_357 = vector.broadcast %broadcast_in_dim3A_356 : i32 to vector<16xi32>
        %gather3A_358 = tpu.vector_load_idx %arg15[%broadcast_in_dim3A_357, %add3A_350, %broadcast_in_dim3A_352] : memref<8x512x16xf32, #tpu.memory_space<vmem>>[vector<16xi32>, vector<16xi32>, vector<16xi32>], vector<16xf32>,
        %mul3A_359 = arith.mulf %mul3A_342, %gather3A_358 : vector<16xf32>
        %add3A_360 = arith.addf %mul3A_355, %mul3A_359 : vector<16xf32>
        %broadcast_in_dim3A_361 = arith.constant 2 : i32
        %broadcast_in_dim3A_362 = vector.broadcast %broadcast_in_dim3A_361 : i32 to vector<16xi32>
        %gather3A_363 = tpu.vector_load_idx %arg15[%broadcast_in_dim3A_362, %add3A_350, %broadcast_in_dim3A_352] : memref<8x512x16xf32, #tpu.memory_space<vmem>>[vector<16xi32>, vector<16xi32>, vector<16xi32>], vector<16xf32>,
        %mul3A_364 = arith.mulf %mul3A_343, %gather3A_363 : vector<16xf32>
        %add3A_365 = arith.addf %add3A_360, %mul3A_364 : vector<16xf32>
        %broadcast_in_dim3A_366 = arith.constant 3 : i32
        %broadcast_in_dim3A_367 = vector.broadcast %broadcast_in_dim3A_366 : i32 to vector<16xi32>
        %gather3A_368 = tpu.vector_load_idx %arg15[%broadcast_in_dim3A_367, %add3A_350, %broadcast_in_dim3A_352] : memref<8x512x16xf32, #tpu.memory_space<vmem>>[vector<16xi32>, vector<16xi32>, vector<16xi32>], vector<16xf32>,
        %mul3A_369 = arith.mulf %mul3A_344, %gather3A_368 : vector<16xf32>
        %add3A_370 = arith.addf %add3A_365, %mul3A_369 : vector<16xf32>
        %broadcast_in_dim3A_371 = arith.constant 4 : i32
        %broadcast_in_dim3A_372 = vector.broadcast %broadcast_in_dim3A_371 : i32 to vector<16xi32>
        %gather3A_373 = tpu.vector_load_idx %arg15[%broadcast_in_dim3A_372, %add3A_350, %broadcast_in_dim3A_352] : memref<8x512x16xf32, #tpu.memory_space<vmem>>[vector<16xi32>, vector<16xi32>, vector<16xi32>], vector<16xf32>,
        %mul3A_374 = arith.mulf %mul3A_345, %gather3A_373 : vector<16xf32>
        %add3A_375 = arith.addf %add3A_370, %mul3A_374 : vector<16xf32>
        %broadcast_in_dim3A_376 = arith.constant 5 : i32
        %broadcast_in_dim3A_377 = vector.broadcast %broadcast_in_dim3A_376 : i32 to vector<16xi32>
        %gather3A_378 = tpu.vector_load_idx %arg15[%broadcast_in_dim3A_377, %add3A_350, %broadcast_in_dim3A_352] : memref<8x512x16xf32, #tpu.memory_space<vmem>>[vector<16xi32>, vector<16xi32>, vector<16xi32>], vector<16xf32>,
        %mul3A_379 = arith.mulf %mul3A_346, %gather3A_378 : vector<16xf32>
        %add3A_380 = arith.addf %add3A_375, %mul3A_379 : vector<16xf32>
        %broadcast_in_dim3A_381 = arith.constant 6 : i32
        %broadcast_in_dim3A_382 = vector.broadcast %broadcast_in_dim3A_381 : i32 to vector<16xi32>
        %gather3A_383 = tpu.vector_load_idx %arg15[%broadcast_in_dim3A_382, %add3A_350, %broadcast_in_dim3A_352] : memref<8x512x16xf32, #tpu.memory_space<vmem>>[vector<16xi32>, vector<16xi32>, vector<16xi32>], vector<16xf32>,
        %mul3A_384 = arith.mulf %mul3A_347, %gather3A_383 : vector<16xf32>
        %add3A_385 = arith.addf %add3A_380, %mul3A_384 : vector<16xf32>
        %broadcast_in_dim3A_386 = arith.constant 7 : i32
        %broadcast_in_dim3A_387 = vector.broadcast %broadcast_in_dim3A_386 : i32 to vector<16xi32>
        %gather3A_388 = tpu.vector_load_idx %arg15[%broadcast_in_dim3A_387, %add3A_350, %broadcast_in_dim3A_352] : memref<8x512x16xf32, #tpu.memory_space<vmem>>[vector<16xi32>, vector<16xi32>, vector<16xi32>], vector<16xf32>,
        %mul3A_389 = arith.mulf %mul3A_348, %gather3A_388 : vector<16xf32>
        %add3A_390 = arith.addf %add3A_385, %mul3A_389 : vector<16xf32>
        %swap3A = arith.constant 0 : i32
        %swap3A_391 = arith.index_cast %swap3A : i32 to index
        %swap3A_392 = arith.index_cast %mul3A_183 : i32 to index
        %swap3A_393 = tpu.vector_load %arg16[%swap3A_391, %swap3A_392] {strides = array<i32>} : memref<16x512xf32, #tpu.memory_space<vmem>>, vector<16xf32>,
        tpu.vector_store %arg16[%swap3A_391, %swap3A_392], %add3A_390 {strides = array<i32>} : memref<16x512xf32, #tpu.memory_space<vmem>>, vector<16xf32>,
        %broadcast_in_dim3A_394 = arith.constant 1 : i32
        %broadcast_in_dim3A_395 = vector.broadcast %broadcast_in_dim3A_394 : i32 to vector<16xi32>
        %broadcast_in_dim3A_396 = arith.constant 0 : i32
        %broadcast_in_dim3A_397 = vector.broadcast %broadcast_in_dim3A_396 : i32 to vector<16xi32>
        %gather3A_398 = tpu.vector_load_idx %arg15[%broadcast_in_dim3A_397, %add3A_350, %broadcast_in_dim3A_395] : memref<8x512x16xf32, #tpu.memory_space<vmem>>[vector<16xi32>, vector<16xi32>, vector<16xi32>], vector<16xf32>,
        %mul3A_399 = arith.mulf %mul3A_341, %gather3A_398 : vector<16xf32>
        %broadcast_in_dim3A_400 = arith.constant 1 : i32
        %broadcast_in_dim3A_401 = vector.broadcast %broadcast_in_dim3A_400 : i32 to vector<16xi32>
        %gather3A_402 = tpu.vector_load_idx %arg15[%broadcast_in_dim3A_401, %add3A_350, %broadcast_in_dim3A_395] : memref<8x512x16xf32, #tpu.memory_space<vmem>>[vector<16xi32>, vector<16xi32>, vector<16xi32>], vector<16xf32>,
        %mul3A_403 = arith.mulf %mul3A_342, %gather3A_402 : vector<16xf32>
        %add3A_404 = arith.addf %mul3A_399, %mul3A_403 : vector<16xf32>
        %broadcast_in_dim3A_405 = arith.constant 2 : i32
        %broadcast_in_dim3A_406 = vector.broadcast %broadcast_in_dim3A_405 : i32 to vector<16xi32>
        %gather3A_407 = tpu.vector_load_idx %arg15[%broadcast_in_dim3A_406, %add3A_350, %broadcast_in_dim3A_395] : memref<8x512x16xf32, #tpu.memory_space<vmem>>[vector<16xi32>, vector<16xi32>, vector<16xi32>], vector<16xf32>,
        %mul3A_408 = arith.mulf %mul3A_343, %gather3A_407 : vector<16xf32>
        %add3A_409 = arith.addf %add3A_404, %mul3A_408 : vector<16xf32>
        %broadcast_in_dim3A_410 = arith.constant 3 : i32
        %broadcast_in_dim3A_411 = vector.broadcast %broadcast_in_dim3A_410 : i32 to vector<16xi32>
        %gather3A_412 = tpu.vector_load_idx %arg15[%broadcast_in_dim3A_411, %add3A_350, %broadcast_in_dim3A_395] : memref<8x512x16xf32, #tpu.memory_space<vmem>>[vector<16xi32>, vector<16xi32>, vector<16xi32>], vector<16xf32>,
        %mul3A_413 = arith.mulf %mul3A_344, %gather3A_412 : vector<16xf32>
        %add3A_414 = arith.addf %add3A_409, %mul3A_413 : vector<16xf32>
        %broadcast_in_dim3A_415 = arith.constant 4 : i32
        %broadcast_in_dim3A_416 = vector.broadcast %broadcast_in_dim3A_415 : i32 to vector<16xi32>
        %gather3A_417 = tpu.vector_load_idx %arg15[%broadcast_in_dim3A_416, %add3A_350, %broadcast_in_dim3A_395] : memref<8x512x16xf32, #tpu.memory_space<vmem>>[vector<16xi32>, vector<16xi32>, vector<16xi32>], vector<16xf32>,
        %mul3A_418 = arith.mulf %mul3A_345, %gather3A_417 : vector<16xf32>
        %add3A_419 = arith.addf %add3A_414, %mul3A_418 : vector<16xf32>
        %broadcast_in_dim3A_420 = arith.constant 5 : i32
        %broadcast_in_dim3A_421 = vector.broadcast %broadcast_in_dim3A_420 : i32 to vector<16xi32>
        %gather3A_422 = tpu.vector_load_idx %arg15[%broadcast_in_dim3A_421, %add3A_350, %broadcast_in_dim3A_395] : memref<8x512x16xf32, #tpu.memory_space<vmem>>[vector<16xi32>, vector<16xi32>, vector<16xi32>], vector<16xf32>,
        %mul3A_423 = arith.mulf %mul3A_346, %gather3A_422 : vector<16xf32>
        %add3A_424 = arith.addf %add3A_419, %mul3A_423 : vector<16xf32>
        %broadcast_in_dim3A_425 = arith.constant 6 : i32
        %broadcast_in_dim3A_426 = vector.broadcast %broadcast_in_dim3A_425 : i32 to vector<16xi32>
        %gather3A_427 = tpu.vector_load_idx %arg15[%broadcast_in_dim3A_426, %add3A_350, %broadcast_in_dim3A_395] : memref<8x512x16xf32, #tpu.memory_space<vmem>>[vector<16xi32>, vector<16xi32>, vector<16xi32>], vector<16xf32>,
        %mul3A_428 = arith.mulf %mul3A_347, %gather3A_427 : vector<16xf32>
        %add3A_429 = arith.addf %add3A_424, %mul3A_428 : vector<16xf32>
        %broadcast_in_dim3A_430 = arith.constant 7 : i32
        %broadcast_in_dim3A_431 = vector.broadcast %broadcast_in_dim3A_430 : i32 to vector<16xi32>
        %gather3A_432 = tpu.vector_load_idx %arg15[%broadcast_in_dim3A_431, %add3A_350, %broadcast_in_dim3A_395] : memref<8x512x16xf32, #tpu.memory_space<vmem>>[vector<16xi32>, vector<16xi32>, vector<16xi32>], vector<16xf32>,
        %mul3A_433 = arith.mulf %mul3A_348, %gather3A_432 : vector<16xf32>
        %add3A_434 = arith.addf %add3A_429, %mul3A_433 : vector<16xf32>
        %swap3A_435 = arith.constant 1 : i32
        %swap3A_436 = arith.index_cast %swap3A_435 : i32 to index
        %swap3A_437 = arith.index_cast %mul3A_183 : i32 to index
        %swap3A_438 = tpu.vector_load %arg16[%swap3A_436, %swap3A_437] {strides = array<i32>} : memref<16x512xf32, #tpu.memory_space<vmem>>, vector<16xf32>,
        tpu.vector_store %arg16[%swap3A_436, %swap3A_437], %add3A_434 {strides = array<i32>} : memref<16x512xf32, #tpu.memory_space<vmem>>, vector<16xf32>,
        %broadcast_in_dim3A_439 = arith.constant 2 : i32
        %broadcast_in_dim3A_440 = vector.broadcast %broadcast_in_dim3A_439 : i32 to vector<16xi32>
        %broadcast_in_dim3A_441 = arith.constant 0 : i32
        %broadcast_in_dim3A_442 = vector.broadcast %broadcast_in_dim3A_441 : i32 to vector<16xi32>
        %gather3A_443 = tpu.vector_load_idx %arg15[%broadcast_in_dim3A_442, %add3A_350, %broadcast_in_dim3A_440] : memref<8x512x16xf32, #tpu.memory_space<vmem>>[vector<16xi32>, vector<16xi32>, vector<16xi32>], vector<16xf32>,
        %mul3A_444 = arith.mulf %mul3A_341, %gather3A_443 : vector<16xf32>
        %broadcast_in_dim3A_445 = arith.constant 1 : i32
        %broadcast_in_dim3A_446 = vector.broadcast %broadcast_in_dim3A_445 : i32 to vector<16xi32>
        %gather3A_447 = tpu.vector_load_idx %arg15[%broadcast_in_dim3A_446, %add3A_350, %broadcast_in_dim3A_440] : memref<8x512x16xf32, #tpu.memory_space<vmem>>[vector<16xi32>, vector<16xi32>, vector<16xi32>], vector<16xf32>,
        %mul3A_448 = arith.mulf %mul3A_342, %gather3A_447 : vector<16xf32>
        %add3A_449 = arith.addf %mul3A_444, %mul3A_448 : vector<16xf32>
        %broadcast_in_dim3A_450 = arith.constant 2 : i32
        %broadcast_in_dim3A_451 = vector.broadcast %broadcast_in_dim3A_450 : i32 to vector<16xi32>
        %gather3A_452 = tpu.vector_load_idx %arg15[%broadcast_in_dim3A_451, %add3A_350, %broadcast_in_dim3A_440] : memref<8x512x16xf32, #tpu.memory_space<vmem>>[vector<16xi32>, vector<16xi32>, vector<16xi32>], vector<16xf32>,
        %mul3A_453 = arith.mulf %mul3A_343, %gather3A_452 : vector<16xf32>
        %add3A_454 = arith.addf %add3A_449, %mul3A_453 : vector<16xf32>
        %broadcast_in_dim3A_455 = arith.constant 3 : i32
        %broadcast_in_dim3A_456 = vector.broadcast %broadcast_in_dim3A_455 : i32 to vector<16xi32>
        %gather3A_457 = tpu.vector_load_idx %arg15[%broadcast_in_dim3A_456, %add3A_350, %broadcast_in_dim3A_440] : memref<8x512x16xf32, #tpu.memory_space<vmem>>[vector<16xi32>, vector<16xi32>, vector<16xi32>], vector<16xf32>,
        %mul3A_458 = arith.mulf %mul3A_344, %gather3A_457 : vector<16xf32>
        %add3A_459 = arith.addf %add3A_454, %mul3A_458 : vector<16xf32>
        %broadcast_in_dim3A_460 = arith.constant 4 : i32
        %broadcast_in_dim3A_461 = vector.broadcast %broadcast_in_dim3A_460 : i32 to vector<16xi32>
        %gather3A_462 = tpu.vector_load_idx %arg15[%broadcast_in_dim3A_461, %add3A_350, %broadcast_in_dim3A_440] : memref<8x512x16xf32, #tpu.memory_space<vmem>>[vector<16xi32>, vector<16xi32>, vector<16xi32>], vector<16xf32>,
        %mul3A_463 = arith.mulf %mul3A_345, %gather3A_462 : vector<16xf32>
        %add3A_464 = arith.addf %add3A_459, %mul3A_463 : vector<16xf32>
        %broadcast_in_dim3A_465 = arith.constant 5 : i32
        %broadcast_in_dim3A_466 = vector.broadcast %broadcast_in_dim3A_465 : i32 to vector<16xi32>
        %gather3A_467 = tpu.vector_load_idx %arg15[%broadcast_in_dim3A_466, %add3A_350, %broadcast_in_dim3A_440] : memref<8x512x16xf32, #tpu.memory_space<vmem>>[vector<16xi32>, vector<16xi32>, vector<16xi32>], vector<16xf32>,
        %mul3A_468 = arith.mulf %mul3A_346, %gather3A_467 : vector<16xf32>
        %add3A_469 = arith.addf %add3A_464, %mul3A_468 : vector<16xf32>
        %broadcast_in_dim3A_470 = arith.constant 6 : i32
        %broadcast_in_dim3A_471 = vector.broadcast %broadcast_in_dim3A_470 : i32 to vector<16xi32>
        %gather3A_472 = tpu.vector_load_idx %arg15[%broadcast_in_dim3A_471, %add3A_350, %broadcast_in_dim3A_440] : memref<8x512x16xf32, #tpu.memory_space<vmem>>[vector<16xi32>, vector<16xi32>, vector<16xi32>], vector<16xf32>,
        %mul3A_473 = arith.mulf %mul3A_347, %gather3A_472 : vector<16xf32>
        %add3A_474 = arith.addf %add3A_469, %mul3A_473 : vector<16xf32>
        %broadcast_in_dim3A_475 = arith.constant 7 : i32
        %broadcast_in_dim3A_476 = vector.broadcast %broadcast_in_dim3A_475 : i32 to vector<16xi32>
        %gather3A_477 = tpu.vector_load_idx %arg15[%broadcast_in_dim3A_476, %add3A_350, %broadcast_in_dim3A_440] : memref<8x512x16xf32, #tpu.memory_space<vmem>>[vector<16xi32>, vector<16xi32>, vector<16xi32>], vector<16xf32>,
        %mul3A_478 = arith.mulf %mul3A_348, %gather3A_477 : vector<16xf32>
        %add3A_479 = arith.addf %add3A_474, %mul3A_478 : vector<16xf32>
        %swap3A_480 = arith.constant 2 : i32
        %swap3A_481 = arith.index_cast %swap3A_480 : i32 to index
        %swap3A_482 = arith.index_cast %mul3A_183 : i32 to index
        %swap3A_483 = tpu.vector_load %arg16[%swap3A_481, %swap3A_482] {strides = array<i32>} : memref<16x512xf32, #tpu.memory_space<vmem>>, vector<16xf32>,
        tpu.vector_store %arg16[%swap3A_481, %swap3A_482], %add3A_479 {strides = array<i32>} : memref<16x512xf32, #tpu.memory_space<vmem>>, vector<16xf32>,
        %broadcast_in_dim3A_484 = arith.constant 3 : i32
        %broadcast_in_dim3A_485 = vector.broadcast %broadcast_in_dim3A_484 : i32 to vector<16xi32>
        %broadcast_in_dim3A_486 = arith.constant 0 : i32
        %broadcast_in_dim3A_487 = vector.broadcast %broadcast_in_dim3A_486 : i32 to vector<16xi32>
        %gather3A_488 = tpu.vector_load_idx %arg15[%broadcast_in_dim3A_487, %add3A_350, %broadcast_in_dim3A_485] : memref<8x512x16xf32, #tpu.memory_space<vmem>>[vector<16xi32>, vector<16xi32>, vector<16xi32>], vector<16xf32>,
        %mul3A_489 = arith.mulf %mul3A_341, %gather3A_488 : vector<16xf32>
        %broadcast_in_dim3A_490 = arith.constant 1 : i32
        %broadcast_in_dim3A_491 = vector.broadcast %broadcast_in_dim3A_490 : i32 to vector<16xi32>
        %gather3A_492 = tpu.vector_load_idx %arg15[%broadcast_in_dim3A_491, %add3A_350, %broadcast_in_dim3A_485] : memref<8x512x16xf32, #tpu.memory_space<vmem>>[vector<16xi32>, vector<16xi32>, vector<16xi32>], vector<16xf32>,
        %mul3A_493 = arith.mulf %mul3A_342, %gather3A_492 : vector<16xf32>
        %add3A_494 = arith.addf %mul3A_489, %mul3A_493 : vector<16xf32>
        %broadcast_in_dim3A_495 = arith.constant 2 : i32
        %broadcast_in_dim3A_496 = vector.broadcast %broadcast_in_dim3A_495 : i32 to vector<16xi32>
        %gather3A_497 = tpu.vector_load_idx %arg15[%broadcast_in_dim3A_496, %add3A_350, %broadcast_in_dim3A_485] : memref<8x512x16xf32, #tpu.memory_space<vmem>>[vector<16xi32>, vector<16xi32>, vector<16xi32>], vector<16xf32>,
        %mul3A_498 = arith.mulf %mul3A_343, %gather3A_497 : vector<16xf32>
        %add3A_499 = arith.addf %add3A_494, %mul3A_498 : vector<16xf32>
        %broadcast_in_dim3A_500 = arith.constant 3 : i32
        %broadcast_in_dim3A_501 = vector.broadcast %broadcast_in_dim3A_500 : i32 to vector<16xi32>
        %gather3A_502 = tpu.vector_load_idx %arg15[%broadcast_in_dim3A_501, %add3A_350, %broadcast_in_dim3A_485] : memref<8x512x16xf32, #tpu.memory_space<vmem>>[vector<16xi32>, vector<16xi32>, vector<16xi32>], vector<16xf32>,
        %mul3A_503 = arith.mulf %mul3A_344, %gather3A_502 : vector<16xf32>
        %add3A_504 = arith.addf %add3A_499, %mul3A_503 : vector<16xf32>
        %broadcast_in_dim3A_505 = arith.constant 4 : i32
        %broadcast_in_dim3A_506 = vector.broadcast %broadcast_in_dim3A_505 : i32 to vector<16xi32>
        %gather3A_507 = tpu.vector_load_idx %arg15[%broadcast_in_dim3A_506, %add3A_350, %broadcast_in_dim3A_485] : memref<8x512x16xf32, #tpu.memory_space<vmem>>[vector<16xi32>, vector<16xi32>, vector<16xi32>], vector<16xf32>,
        %mul3A_508 = arith.mulf %mul3A_345, %gather3A_507 : vector<16xf32>
        %add3A_509 = arith.addf %add3A_504, %mul3A_508 : vector<16xf32>
        %broadcast_in_dim3A_510 = arith.constant 5 : i32
        %broadcast_in_dim3A_511 = vector.broadcast %broadcast_in_dim3A_510 : i32 to vector<16xi32>
        %gather3A_512 = tpu.vector_load_idx %arg15[%broadcast_in_dim3A_511, %add3A_350, %broadcast_in_dim3A_485] : memref<8x512x16xf32, #tpu.memory_space<vmem>>[vector<16xi32>, vector<16xi32>, vector<16xi32>], vector<16xf32>,
        %mul3A_513 = arith.mulf %mul3A_346, %gather3A_512 : vector<16xf32>
        %add3A_514 = arith.addf %add3A_509, %mul3A_513 : vector<16xf32>
        %broadcast_in_dim3A_515 = arith.constant 6 : i32
        %broadcast_in_dim3A_516 = vector.broadcast %broadcast_in_dim3A_515 : i32 to vector<16xi32>
        %gather3A_517 = tpu.vector_load_idx %arg15[%broadcast_in_dim3A_516, %add3A_350, %broadcast_in_dim3A_485] : memref<8x512x16xf32, #tpu.memory_space<vmem>>[vector<16xi32>, vector<16xi32>, vector<16xi32>], vector<16xf32>,
        %mul3A_518 = arith.mulf %mul3A_347, %gather3A_517 : vector<16xf32>
        %add3A_519 = arith.addf %add3A_514, %mul3A_518 : vector<16xf32>
        %broadcast_in_dim3A_520 = arith.constant 7 : i32
        %broadcast_in_dim3A_521 = vector.broadcast %broadcast_in_dim3A_520 : i32 to vector<16xi32>
        %gather3A_522 = tpu.vector_load_idx %arg15[%broadcast_in_dim3A_521, %add3A_350, %broadcast_in_dim3A_485] : memref<8x512x16xf32, #tpu.memory_space<vmem>>[vector<16xi32>, vector<16xi32>, vector<16xi32>], vector<16xf32>,
        %mul3A_523 = arith.mulf %mul3A_348, %gather3A_522 : vector<16xf32>
        %add3A_524 = arith.addf %add3A_519, %mul3A_523 : vector<16xf32>
        %swap3A_525 = arith.constant 3 : i32
        %swap3A_526 = arith.index_cast %swap3A_525 : i32 to index
        %swap3A_527 = arith.index_cast %mul3A_183 : i32 to index
        %swap3A_528 = tpu.vector_load %arg16[%swap3A_526, %swap3A_527] {strides = array<i32>} : memref<16x512xf32, #tpu.memory_space<vmem>>, vector<16xf32>,
        tpu.vector_store %arg16[%swap3A_526, %swap3A_527], %add3A_524 {strides = array<i32>} : memref<16x512xf32, #tpu.memory_space<vmem>>, vector<16xf32>,
        %broadcast_in_dim3A_529 = arith.constant 4 : i32
        %broadcast_in_dim3A_530 = vector.broadcast %broadcast_in_dim3A_529 : i32 to vector<16xi32>
        %broadcast_in_dim3A_531 = arith.constant 0 : i32
        %broadcast_in_dim3A_532 = vector.broadcast %broadcast_in_dim3A_531 : i32 to vector<16xi32>
        %gather3A_533 = tpu.vector_load_idx %arg15[%broadcast_in_dim3A_532, %add3A_350, %broadcast_in_dim3A_530] : memref<8x512x16xf32, #tpu.memory_space<vmem>>[vector<16xi32>, vector<16xi32>, vector<16xi32>], vector<16xf32>,
        %mul3A_534 = arith.mulf %mul3A_341, %gather3A_533 : vector<16xf32>
        %broadcast_in_dim3A_535 = arith.constant 1 : i32
        %broadcast_in_dim3A_536 = vector.broadcast %broadcast_in_dim3A_535 : i32 to vector<16xi32>
        %gather3A_537 = tpu.vector_load_idx %arg15[%broadcast_in_dim3A_536, %add3A_350, %broadcast_in_dim3A_530] : memref<8x512x16xf32, #tpu.memory_space<vmem>>[vector<16xi32>, vector<16xi32>, vector<16xi32>], vector<16xf32>,
        %mul3A_538 = arith.mulf %mul3A_342, %gather3A_537 : vector<16xf32>
        %add3A_539 = arith.addf %mul3A_534, %mul3A_538 : vector<16xf32>
        %broadcast_in_dim3A_540 = arith.constant 2 : i32
        %broadcast_in_dim3A_541 = vector.broadcast %broadcast_in_dim3A_540 : i32 to vector<16xi32>
        %gather3A_542 = tpu.vector_load_idx %arg15[%broadcast_in_dim3A_541, %add3A_350, %broadcast_in_dim3A_530] : memref<8x512x16xf32, #tpu.memory_space<vmem>>[vector<16xi32>, vector<16xi32>, vector<16xi32>], vector<16xf32>,
        %mul3A_543 = arith.mulf %mul3A_343, %gather3A_542 : vector<16xf32>
        %add3A_544 = arith.addf %add3A_539, %mul3A_543 : vector<16xf32>
        %broadcast_in_dim3A_545 = arith.constant 3 : i32
        %broadcast_in_dim3A_546 = vector.broadcast %broadcast_in_dim3A_545 : i32 to vector<16xi32>
        %gather3A_547 = tpu.vector_load_idx %arg15[%broadcast_in_dim3A_546, %add3A_350, %broadcast_in_dim3A_530] : memref<8x512x16xf32, #tpu.memory_space<vmem>>[vector<16xi32>, vector<16xi32>, vector<16xi32>], vector<16xf32>,
        %mul3A_548 = arith.mulf %mul3A_344, %gather3A_547 : vector<16xf32>
        %add3A_549 = arith.addf %add3A_544, %mul3A_548 : vector<16xf32>
        %broadcast_in_dim3A_550 = arith.constant 4 : i32
        %broadcast_in_dim3A_551 = vector.broadcast %broadcast_in_dim3A_550 : i32 to vector<16xi32>
        %gather3A_552 = tpu.vector_load_idx %arg15[%broadcast_in_dim3A_551, %add3A_350, %broadcast_in_dim3A_530] : memref<8x512x16xf32, #tpu.memory_space<vmem>>[vector<16xi32>, vector<16xi32>, vector<16xi32>], vector<16xf32>,
        %mul3A_553 = arith.mulf %mul3A_345, %gather3A_552 : vector<16xf32>
        %add3A_554 = arith.addf %add3A_549, %mul3A_553 : vector<16xf32>
        %broadcast_in_dim3A_555 = arith.constant 5 : i32
        %broadcast_in_dim3A_556 = vector.broadcast %broadcast_in_dim3A_555 : i32 to vector<16xi32>
        %gather3A_557 = tpu.vector_load_idx %arg15[%broadcast_in_dim3A_556, %add3A_350, %broadcast_in_dim3A_530] : memref<8x512x16xf32, #tpu.memory_space<vmem>>[vector<16xi32>, vector<16xi32>, vector<16xi32>], vector<16xf32>,
        %mul3A_558 = arith.mulf %mul3A_346, %gather3A_557 : vector<16xf32>
        %add3A_559 = arith.addf %add3A_554, %mul3A_558 : vector<16xf32>
        %broadcast_in_dim3A_560 = arith.constant 6 : i32
        %broadcast_in_dim3A_561 = vector.broadcast %broadcast_in_dim3A_560 : i32 to vector<16xi32>
        %gather3A_562 = tpu.vector_load_idx %arg15[%broadcast_in_dim3A_561, %add3A_350, %broadcast_in_dim3A_530] : memref<8x512x16xf32, #tpu.memory_space<vmem>>[vector<16xi32>, vector<16xi32>, vector<16xi32>], vector<16xf32>,
        %mul3A_563 = arith.mulf %mul3A_347, %gather3A_562 : vector<16xf32>
        %add3A_564 = arith.addf %add3A_559, %mul3A_563 : vector<16xf32>
        %broadcast_in_dim3A_565 = arith.constant 7 : i32
        %broadcast_in_dim3A_566 = vector.broadcast %broadcast_in_dim3A_565 : i32 to vector<16xi32>
        %gather3A_567 = tpu.vector_load_idx %arg15[%broadcast_in_dim3A_566, %add3A_350, %broadcast_in_dim3A_530] : memref<8x512x16xf32, #tpu.memory_space<vmem>>[vector<16xi32>, vector<16xi32>, vector<16xi32>], vector<16xf32>,
        %mul3A_568 = arith.mulf %mul3A_348, %gather3A_567 : vector<16xf32>
        %add3A_569 = arith.addf %add3A_564, %mul3A_568 : vector<16xf32>
        %swap3A_570 = arith.constant 4 : i32
        %swap3A_571 = arith.index_cast %swap3A_570 : i32 to index
        %swap3A_572 = arith.index_cast %mul3A_183 : i32 to index
        %swap3A_573 = tpu.vector_load %arg16[%swap3A_571, %swap3A_572] {strides = array<i32>} : memref<16x512xf32, #tpu.memory_space<vmem>>, vector<16xf32>,
        tpu.vector_store %arg16[%swap3A_571, %swap3A_572], %add3A_569 {strides = array<i32>} : memref<16x512xf32, #tpu.memory_space<vmem>>, vector<16xf32>,
        %broadcast_in_dim3A_574 = arith.constant 5 : i32
        %broadcast_in_dim3A_575 = vector.broadcast %broadcast_in_dim3A_574 : i32 to vector<16xi32>
        %broadcast_in_dim3A_576 = arith.constant 0 : i32
        %broadcast_in_dim3A_577 = vector.broadcast %broadcast_in_dim3A_576 : i32 to vector<16xi32>
        %gather3A_578 = tpu.vector_load_idx %arg15[%broadcast_in_dim3A_577, %add3A_350, %broadcast_in_dim3A_575] : memref<8x512x16xf32, #tpu.memory_space<vmem>>[vector<16xi32>, vector<16xi32>, vector<16xi32>], vector<16xf32>,
        %mul3A_579 = arith.mulf %mul3A_341, %gather3A_578 : vector<16xf32>
        %broadcast_in_dim3A_580 = arith.constant 1 : i32
        %broadcast_in_dim3A_581 = vector.broadcast %broadcast_in_dim3A_580 : i32 to vector<16xi32>
        %gather3A_582 = tpu.vector_load_idx %arg15[%broadcast_in_dim3A_581, %add3A_350, %broadcast_in_dim3A_575] : memref<8x512x16xf32, #tpu.memory_space<vmem>>[vector<16xi32>, vector<16xi32>, vector<16xi32>], vector<16xf32>,
        %mul3A_583 = arith.mulf %mul3A_342, %gather3A_582 : vector<16xf32>
        %add3A_584 = arith.addf %mul3A_579, %mul3A_583 : vector<16xf32>
        %broadcast_in_dim3A_585 = arith.constant 2 : i32
        %broadcast_in_dim3A_586 = vector.broadcast %broadcast_in_dim3A_585 : i32 to vector<16xi32>
        %gather3A_587 = tpu.vector_load_idx %arg15[%broadcast_in_dim3A_586, %add3A_350, %broadcast_in_dim3A_575] : memref<8x512x16xf32, #tpu.memory_space<vmem>>[vector<16xi32>, vector<16xi32>, vector<16xi32>], vector<16xf32>,
        %mul3A_588 = arith.mulf %mul3A_343, %gather3A_587 : vector<16xf32>
        %add3A_589 = arith.addf %add3A_584, %mul3A_588 : vector<16xf32>
        %broadcast_in_dim3A_590 = arith.constant 3 : i32
        %broadcast_in_dim3A_591 = vector.broadcast %broadcast_in_dim3A_590 : i32 to vector<16xi32>
        %gather3A_592 = tpu.vector_load_idx %arg15[%broadcast_in_dim3A_591, %add3A_350, %broadcast_in_dim3A_575] : memref<8x512x16xf32, #tpu.memory_space<vmem>>[vector<16xi32>, vector<16xi32>, vector<16xi32>], vector<16xf32>,
        %mul3A_593 = arith.mulf %mul3A_344, %gather3A_592 : vector<16xf32>
        %add3A_594 = arith.addf %add3A_589, %mul3A_593 : vector<16xf32>
        %broadcast_in_dim3A_595 = arith.constant 4 : i32
        %broadcast_in_dim3A_596 = vector.broadcast %broadcast_in_dim3A_595 : i32 to vector<16xi32>
        %gather3A_597 = tpu.vector_load_idx %arg15[%broadcast_in_dim3A_596, %add3A_350, %broadcast_in_dim3A_575] : memref<8x512x16xf32, #tpu.memory_space<vmem>>[vector<16xi32>, vector<16xi32>, vector<16xi32>], vector<16xf32>,
        %mul3A_598 = arith.mulf %mul3A_345, %gather3A_597 : vector<16xf32>
        %add3A_599 = arith.addf %add3A_594, %mul3A_598 : vector<16xf32>
        %broadcast_in_dim3A_600 = arith.constant 5 : i32
        %broadcast_in_dim3A_601 = vector.broadcast %broadcast_in_dim3A_600 : i32 to vector<16xi32>
        %gather3A_602 = tpu.vector_load_idx %arg15[%broadcast_in_dim3A_601, %add3A_350, %broadcast_in_dim3A_575] : memref<8x512x16xf32, #tpu.memory_space<vmem>>[vector<16xi32>, vector<16xi32>, vector<16xi32>], vector<16xf32>,
        %mul3A_603 = arith.mulf %mul3A_346, %gather3A_602 : vector<16xf32>
        %add3A_604 = arith.addf %add3A_599, %mul3A_603 : vector<16xf32>
        %broadcast_in_dim3A_605 = arith.constant 6 : i32
        %broadcast_in_dim3A_606 = vector.broadcast %broadcast_in_dim3A_605 : i32 to vector<16xi32>
        %gather3A_607 = tpu.vector_load_idx %arg15[%broadcast_in_dim3A_606, %add3A_350, %broadcast_in_dim3A_575] : memref<8x512x16xf32, #tpu.memory_space<vmem>>[vector<16xi32>, vector<16xi32>, vector<16xi32>], vector<16xf32>,
        %mul3A_608 = arith.mulf %mul3A_347, %gather3A_607 : vector<16xf32>
        %add3A_609 = arith.addf %add3A_604, %mul3A_608 : vector<16xf32>
        %broadcast_in_dim3A_610 = arith.constant 7 : i32
        %broadcast_in_dim3A_611 = vector.broadcast %broadcast_in_dim3A_610 : i32 to vector<16xi32>
        %gather3A_612 = tpu.vector_load_idx %arg15[%broadcast_in_dim3A_611, %add3A_350, %broadcast_in_dim3A_575] : memref<8x512x16xf32, #tpu.memory_space<vmem>>[vector<16xi32>, vector<16xi32>, vector<16xi32>], vector<16xf32>,
        %mul3A_613 = arith.mulf %mul3A_348, %gather3A_612 : vector<16xf32>
        %add3A_614 = arith.addf %add3A_609, %mul3A_613 : vector<16xf32>
        %swap3A_615 = arith.constant 5 : i32
        %swap3A_616 = arith.index_cast %swap3A_615 : i32 to index
        %swap3A_617 = arith.index_cast %mul3A_183 : i32 to index
        %swap3A_618 = tpu.vector_load %arg16[%swap3A_616, %swap3A_617] {strides = array<i32>} : memref<16x512xf32, #tpu.memory_space<vmem>>, vector<16xf32>,
        tpu.vector_store %arg16[%swap3A_616, %swap3A_617], %add3A_614 {strides = array<i32>} : memref<16x512xf32, #tpu.memory_space<vmem>>, vector<16xf32>,
        %broadcast_in_dim3A_619 = arith.constant 6 : i32
        %broadcast_in_dim3A_620 = vector.broadcast %broadcast_in_dim3A_619 : i32 to vector<16xi32>
        %broadcast_in_dim3A_621 = arith.constant 0 : i32
        %broadcast_in_dim3A_622 = vector.broadcast %broadcast_in_dim3A_621 : i32 to vector<16xi32>
        %gather3A_623 = tpu.vector_load_idx %arg15[%broadcast_in_dim3A_622, %add3A_350, %broadcast_in_dim3A_620] : memref<8x512x16xf32, #tpu.memory_space<vmem>>[vector<16xi32>, vector<16xi32>, vector<16xi32>], vector<16xf32>,
        %mul3A_624 = arith.mulf %mul3A_341, %gather3A_623 : vector<16xf32>
        %broadcast_in_dim3A_625 = arith.constant 1 : i32
        %broadcast_in_dim3A_626 = vector.broadcast %broadcast_in_dim3A_625 : i32 to vector<16xi32>
        %gather3A_627 = tpu.vector_load_idx %arg15[%broadcast_in_dim3A_626, %add3A_350, %broadcast_in_dim3A_620] : memref<8x512x16xf32, #tpu.memory_space<vmem>>[vector<16xi32>, vector<16xi32>, vector<16xi32>], vector<16xf32>,
        %mul3A_628 = arith.mulf %mul3A_342, %gather3A_627 : vector<16xf32>
        %add3A_629 = arith.addf %mul3A_624, %mul3A_628 : vector<16xf32>
        %broadcast_in_dim3A_630 = arith.constant 2 : i32
        %broadcast_in_dim3A_631 = vector.broadcast %broadcast_in_dim3A_630 : i32 to vector<16xi32>
        %gather3A_632 = tpu.vector_load_idx %arg15[%broadcast_in_dim3A_631, %add3A_350, %broadcast_in_dim3A_620] : memref<8x512x16xf32, #tpu.memory_space<vmem>>[vector<16xi32>, vector<16xi32>, vector<16xi32>], vector<16xf32>,
        %mul3A_633 = arith.mulf %mul3A_343, %gather3A_632 : vector<16xf32>
        %add3A_634 = arith.addf %add3A_629, %mul3A_633 : vector<16xf32>
        %broadcast_in_dim3A_635 = arith.constant 3 : i32
        %broadcast_in_dim3A_636 = vector.broadcast %broadcast_in_dim3A_635 : i32 to vector<16xi32>
        %gather3A_637 = tpu.vector_load_idx %arg15[%broadcast_in_dim3A_636, %add3A_350, %broadcast_in_dim3A_620] : memref<8x512x16xf32, #tpu.memory_space<vmem>>[vector<16xi32>, vector<16xi32>, vector<16xi32>], vector<16xf32>,
        %mul3A_638 = arith.mulf %mul3A_344, %gather3A_637 : vector<16xf32>
        %add3A_639 = arith.addf %add3A_634, %mul3A_638 : vector<16xf32>
        %broadcast_in_dim3A_640 = arith.constant 4 : i32
        %broadcast_in_dim3A_641 = vector.broadcast %broadcast_in_dim3A_640 : i32 to vector<16xi32>
        %gather3A_642 = tpu.vector_load_idx %arg15[%broadcast_in_dim3A_641, %add3A_350, %broadcast_in_dim3A_620] : memref<8x512x16xf32, #tpu.memory_space<vmem>>[vector<16xi32>, vector<16xi32>, vector<16xi32>], vector<16xf32>,
        %mul3A_643 = arith.mulf %mul3A_345, %gather3A_642 : vector<16xf32>
        %add3A_644 = arith.addf %add3A_639, %mul3A_643 : vector<16xf32>
        %broadcast_in_dim3A_645 = arith.constant 5 : i32
        %broadcast_in_dim3A_646 = vector.broadcast %broadcast_in_dim3A_645 : i32 to vector<16xi32>
        %gather3A_647 = tpu.vector_load_idx %arg15[%broadcast_in_dim3A_646, %add3A_350, %broadcast_in_dim3A_620] : memref<8x512x16xf32, #tpu.memory_space<vmem>>[vector<16xi32>, vector<16xi32>, vector<16xi32>], vector<16xf32>,
        %mul3A_648 = arith.mulf %mul3A_346, %gather3A_647 : vector<16xf32>
        %add3A_649 = arith.addf %add3A_644, %mul3A_648 : vector<16xf32>
        %broadcast_in_dim3A_650 = arith.constant 6 : i32
        %broadcast_in_dim3A_651 = vector.broadcast %broadcast_in_dim3A_650 : i32 to vector<16xi32>
        %gather3A_652 = tpu.vector_load_idx %arg15[%broadcast_in_dim3A_651, %add3A_350, %broadcast_in_dim3A_620] : memref<8x512x16xf32, #tpu.memory_space<vmem>>[vector<16xi32>, vector<16xi32>, vector<16xi32>], vector<16xf32>,
        %mul3A_653 = arith.mulf %mul3A_347, %gather3A_652 : vector<16xf32>
        %add3A_654 = arith.addf %add3A_649, %mul3A_653 : vector<16xf32>
        %broadcast_in_dim3A_655 = arith.constant 7 : i32
        %broadcast_in_dim3A_656 = vector.broadcast %broadcast_in_dim3A_655 : i32 to vector<16xi32>
        %gather3A_657 = tpu.vector_load_idx %arg15[%broadcast_in_dim3A_656, %add3A_350, %broadcast_in_dim3A_620] : memref<8x512x16xf32, #tpu.memory_space<vmem>>[vector<16xi32>, vector<16xi32>, vector<16xi32>], vector<16xf32>,
        %mul3A_658 = arith.mulf %mul3A_348, %gather3A_657 : vector<16xf32>
        %add3A_659 = arith.addf %add3A_654, %mul3A_658 : vector<16xf32>
        %swap3A_660 = arith.constant 6 : i32
        %swap3A_661 = arith.index_cast %swap3A_660 : i32 to index
        %swap3A_662 = arith.index_cast %mul3A_183 : i32 to index
        %swap3A_663 = tpu.vector_load %arg16[%swap3A_661, %swap3A_662] {strides = array<i32>} : memref<16x512xf32, #tpu.memory_space<vmem>>, vector<16xf32>,
        tpu.vector_store %arg16[%swap3A_661, %swap3A_662], %add3A_659 {strides = array<i32>} : memref<16x512xf32, #tpu.memory_space<vmem>>, vector<16xf32>,
        %broadcast_in_dim3A_664 = arith.constant 7 : i32
        %broadcast_in_dim3A_665 = vector.broadcast %broadcast_in_dim3A_664 : i32 to vector<16xi32>
        %broadcast_in_dim3A_666 = arith.constant 0 : i32
        %broadcast_in_dim3A_667 = vector.broadcast %broadcast_in_dim3A_666 : i32 to vector<16xi32>
        %gather3A_668 = tpu.vector_load_idx %arg15[%broadcast_in_dim3A_667, %add3A_350, %broadcast_in_dim3A_665] : memref<8x512x16xf32, #tpu.memory_space<vmem>>[vector<16xi32>, vector<16xi32>, vector<16xi32>], vector<16xf32>,
        %mul3A_669 = arith.mulf %mul3A_341, %gather3A_668 : vector<16xf32>
        %broadcast_in_dim3A_670 = arith.constant 1 : i32
        %broadcast_in_dim3A_671 = vector.broadcast %broadcast_in_dim3A_670 : i32 to vector<16xi32>
        %gather3A_672 = tpu.vector_load_idx %arg15[%broadcast_in_dim3A_671, %add3A_350, %broadcast_in_dim3A_665] : memref<8x512x16xf32, #tpu.memory_space<vmem>>[vector<16xi32>, vector<16xi32>, vector<16xi32>], vector<16xf32>,
        %mul3A_673 = arith.mulf %mul3A_342, %gather3A_672 : vector<16xf32>
        %add3A_674 = arith.addf %mul3A_669, %mul3A_673 : vector<16xf32>
        %broadcast_in_dim3A_675 = arith.constant 2 : i32
        %broadcast_in_dim3A_676 = vector.broadcast %broadcast_in_dim3A_675 : i32 to vector<16xi32>
        %gather3A_677 = tpu.vector_load_idx %arg15[%broadcast_in_dim3A_676, %add3A_350, %broadcast_in_dim3A_665] : memref<8x512x16xf32, #tpu.memory_space<vmem>>[vector<16xi32>, vector<16xi32>, vector<16xi32>], vector<16xf32>,
        %mul3A_678 = arith.mulf %mul3A_343, %gather3A_677 : vector<16xf32>
        %add3A_679 = arith.addf %add3A_674, %mul3A_678 : vector<16xf32>
        %broadcast_in_dim3A_680 = arith.constant 3 : i32
        %broadcast_in_dim3A_681 = vector.broadcast %broadcast_in_dim3A_680 : i32 to vector<16xi32>
        %gather3A_682 = tpu.vector_load_idx %arg15[%broadcast_in_dim3A_681, %add3A_350, %broadcast_in_dim3A_665] : memref<8x512x16xf32, #tpu.memory_space<vmem>>[vector<16xi32>, vector<16xi32>, vector<16xi32>], vector<16xf32>,
        %mul3A_683 = arith.mulf %mul3A_344, %gather3A_682 : vector<16xf32>
        %add3A_684 = arith.addf %add3A_679, %mul3A_683 : vector<16xf32>
        %broadcast_in_dim3A_685 = arith.constant 4 : i32
        %broadcast_in_dim3A_686 = vector.broadcast %broadcast_in_dim3A_685 : i32 to vector<16xi32>
        %gather3A_687 = tpu.vector_load_idx %arg15[%broadcast_in_dim3A_686, %add3A_350, %broadcast_in_dim3A_665] : memref<8x512x16xf32, #tpu.memory_space<vmem>>[vector<16xi32>, vector<16xi32>, vector<16xi32>], vector<16xf32>,
        %mul3A_688 = arith.mulf %mul3A_345, %gather3A_687 : vector<16xf32>
        %add3A_689 = arith.addf %add3A_684, %mul3A_688 : vector<16xf32>
        %broadcast_in_dim3A_690 = arith.constant 5 : i32
        %broadcast_in_dim3A_691 = vector.broadcast %broadcast_in_dim3A_690 : i32 to vector<16xi32>
        %gather3A_692 = tpu.vector_load_idx %arg15[%broadcast_in_dim3A_691, %add3A_350, %broadcast_in_dim3A_665] : memref<8x512x16xf32, #tpu.memory_space<vmem>>[vector<16xi32>, vector<16xi32>, vector<16xi32>], vector<16xf32>,
        %mul3A_693 = arith.mulf %mul3A_346, %gather3A_692 : vector<16xf32>
        %add3A_694 = arith.addf %add3A_689, %mul3A_693 : vector<16xf32>
        %broadcast_in_dim3A_695 = arith.constant 6 : i32
        %broadcast_in_dim3A_696 = vector.broadcast %broadcast_in_dim3A_695 : i32 to vector<16xi32>
        %gather3A_697 = tpu.vector_load_idx %arg15[%broadcast_in_dim3A_696, %add3A_350, %broadcast_in_dim3A_665] : memref<8x512x16xf32, #tpu.memory_space<vmem>>[vector<16xi32>, vector<16xi32>, vector<16xi32>], vector<16xf32>,
        %mul3A_698 = arith.mulf %mul3A_347, %gather3A_697 : vector<16xf32>
        %add3A_699 = arith.addf %add3A_694, %mul3A_698 : vector<16xf32>
        %broadcast_in_dim3A_700 = arith.constant 7 : i32
        %broadcast_in_dim3A_701 = vector.broadcast %broadcast_in_dim3A_700 : i32 to vector<16xi32>
        %gather3A_702 = tpu.vector_load_idx %arg15[%broadcast_in_dim3A_701, %add3A_350, %broadcast_in_dim3A_665] : memref<8x512x16xf32, #tpu.memory_space<vmem>>[vector<16xi32>, vector<16xi32>, vector<16xi32>], vector<16xf32>,
        %mul3A_703 = arith.mulf %mul3A_348, %gather3A_702 : vector<16xf32>
        %add3A_704 = arith.addf %add3A_699, %mul3A_703 : vector<16xf32>
        %swap3A_705 = arith.constant 7 : i32
        %swap3A_706 = arith.index_cast %swap3A_705 : i32 to index
        %swap3A_707 = arith.index_cast %mul3A_183 : i32 to index
        %swap3A_708 = tpu.vector_load %arg16[%swap3A_706, %swap3A_707] {strides = array<i32>} : memref<16x512xf32, #tpu.memory_space<vmem>>, vector<16xf32>,
        tpu.vector_store %arg16[%swap3A_706, %swap3A_707], %add3A_704 {strides = array<i32>} : memref<16x512xf32, #tpu.memory_space<vmem>>, vector<16xf32>,
        %broadcast_in_dim3A_709 = arith.constant 8 : i32
        %broadcast_in_dim3A_710 = vector.broadcast %broadcast_in_dim3A_709 : i32 to vector<16xi32>
        %broadcast_in_dim3A_711 = arith.constant 0 : i32
        %broadcast_in_dim3A_712 = vector.broadcast %broadcast_in_dim3A_711 : i32 to vector<16xi32>
        %gather3A_713 = tpu.vector_load_idx %arg15[%broadcast_in_dim3A_712, %add3A_350, %broadcast_in_dim3A_710] : memref<8x512x16xf32, #tpu.memory_space<vmem>>[vector<16xi32>, vector<16xi32>, vector<16xi32>], vector<16xf32>,
        %mul3A_714 = arith.mulf %mul3A_341, %gather3A_713 : vector<16xf32>
        %broadcast_in_dim3A_715 = arith.constant 1 : i32
        %broadcast_in_dim3A_716 = vector.broadcast %broadcast_in_dim3A_715 : i32 to vector<16xi32>
        %gather3A_717 = tpu.vector_load_idx %arg15[%broadcast_in_dim3A_716, %add3A_350, %broadcast_in_dim3A_710] : memref<8x512x16xf32, #tpu.memory_space<vmem>>[vector<16xi32>, vector<16xi32>, vector<16xi32>], vector<16xf32>,
        %mul3A_718 = arith.mulf %mul3A_342, %gather3A_717 : vector<16xf32>
        %add3A_719 = arith.addf %mul3A_714, %mul3A_718 : vector<16xf32>
        %broadcast_in_dim3A_720 = arith.constant 2 : i32
        %broadcast_in_dim3A_721 = vector.broadcast %broadcast_in_dim3A_720 : i32 to vector<16xi32>
        %gather3A_722 = tpu.vector_load_idx %arg15[%broadcast_in_dim3A_721, %add3A_350, %broadcast_in_dim3A_710] : memref<8x512x16xf32, #tpu.memory_space<vmem>>[vector<16xi32>, vector<16xi32>, vector<16xi32>], vector<16xf32>,
        %mul3A_723 = arith.mulf %mul3A_343, %gather3A_722 : vector<16xf32>
        %add3A_724 = arith.addf %add3A_719, %mul3A_723 : vector<16xf32>
        %broadcast_in_dim3A_725 = arith.constant 3 : i32
        %broadcast_in_dim3A_726 = vector.broadcast %broadcast_in_dim3A_725 : i32 to vector<16xi32>
        %gather3A_727 = tpu.vector_load_idx %arg15[%broadcast_in_dim3A_726, %add3A_350, %broadcast_in_dim3A_710] : memref<8x512x16xf32, #tpu.memory_space<vmem>>[vector<16xi32>, vector<16xi32>, vector<16xi32>], vector<16xf32>,
        %mul3A_728 = arith.mulf %mul3A_344, %gather3A_727 : vector<16xf32>
        %add3A_729 = arith.addf %add3A_724, %mul3A_728 : vector<16xf32>
        %broadcast_in_dim3A_730 = arith.constant 4 : i32
        %broadcast_in_dim3A_731 = vector.broadcast %broadcast_in_dim3A_730 : i32 to vector<16xi32>
        %gather3A_732 = tpu.vector_load_idx %arg15[%broadcast_in_dim3A_731, %add3A_350, %broadcast_in_dim3A_710] : memref<8x512x16xf32, #tpu.memory_space<vmem>>[vector<16xi32>, vector<16xi32>, vector<16xi32>], vector<16xf32>,
        %mul3A_733 = arith.mulf %mul3A_345, %gather3A_732 : vector<16xf32>
        %add3A_734 = arith.addf %add3A_729, %mul3A_733 : vector<16xf32>
        %broadcast_in_dim3A_735 = arith.constant 5 : i32
        %broadcast_in_dim3A_736 = vector.broadcast %broadcast_in_dim3A_735 : i32 to vector<16xi32>
        %gather3A_737 = tpu.vector_load_idx %arg15[%broadcast_in_dim3A_736, %add3A_350, %broadcast_in_dim3A_710] : memref<8x512x16xf32, #tpu.memory_space<vmem>>[vector<16xi32>, vector<16xi32>, vector<16xi32>], vector<16xf32>,
        %mul3A_738 = arith.mulf %mul3A_346, %gather3A_737 : vector<16xf32>
        %add3A_739 = arith.addf %add3A_734, %mul3A_738 : vector<16xf32>
        %broadcast_in_dim3A_740 = arith.constant 6 : i32
        %broadcast_in_dim3A_741 = vector.broadcast %broadcast_in_dim3A_740 : i32 to vector<16xi32>
        %gather3A_742 = tpu.vector_load_idx %arg15[%broadcast_in_dim3A_741, %add3A_350, %broadcast_in_dim3A_710] : memref<8x512x16xf32, #tpu.memory_space<vmem>>[vector<16xi32>, vector<16xi32>, vector<16xi32>], vector<16xf32>,
        %mul3A_743 = arith.mulf %mul3A_347, %gather3A_742 : vector<16xf32>
        %add3A_744 = arith.addf %add3A_739, %mul3A_743 : vector<16xf32>
        %broadcast_in_dim3A_745 = arith.constant 7 : i32
        %broadcast_in_dim3A_746 = vector.broadcast %broadcast_in_dim3A_745 : i32 to vector<16xi32>
        %gather3A_747 = tpu.vector_load_idx %arg15[%broadcast_in_dim3A_746, %add3A_350, %broadcast_in_dim3A_710] : memref<8x512x16xf32, #tpu.memory_space<vmem>>[vector<16xi32>, vector<16xi32>, vector<16xi32>], vector<16xf32>,
        %mul3A_748 = arith.mulf %mul3A_348, %gather3A_747 : vector<16xf32>
        %add3A_749 = arith.addf %add3A_744, %mul3A_748 : vector<16xf32>
        %swap3A_750 = arith.constant 8 : i32
        %swap3A_751 = arith.index_cast %swap3A_750 : i32 to index
        %swap3A_752 = arith.index_cast %mul3A_183 : i32 to index
        %swap3A_753 = tpu.vector_load %arg16[%swap3A_751, %swap3A_752] {strides = array<i32>} : memref<16x512xf32, #tpu.memory_space<vmem>>, vector<16xf32>,
        tpu.vector_store %arg16[%swap3A_751, %swap3A_752], %add3A_749 {strides = array<i32>} : memref<16x512xf32, #tpu.memory_space<vmem>>, vector<16xf32>,
        %broadcast_in_dim3A_754 = arith.constant 9 : i32
        %broadcast_in_dim3A_755 = vector.broadcast %broadcast_in_dim3A_754 : i32 to vector<16xi32>
        %broadcast_in_dim3A_756 = arith.constant 0 : i32
        %broadcast_in_dim3A_757 = vector.broadcast %broadcast_in_dim3A_756 : i32 to vector<16xi32>
        %gather3A_758 = tpu.vector_load_idx %arg15[%broadcast_in_dim3A_757, %add3A_350, %broadcast_in_dim3A_755] : memref<8x512x16xf32, #tpu.memory_space<vmem>>[vector<16xi32>, vector<16xi32>, vector<16xi32>], vector<16xf32>,
        %mul3A_759 = arith.mulf %mul3A_341, %gather3A_758 : vector<16xf32>
        %broadcast_in_dim3A_760 = arith.constant 1 : i32
        %broadcast_in_dim3A_761 = vector.broadcast %broadcast_in_dim3A_760 : i32 to vector<16xi32>
        %gather3A_762 = tpu.vector_load_idx %arg15[%broadcast_in_dim3A_761, %add3A_350, %broadcast_in_dim3A_755] : memref<8x512x16xf32, #tpu.memory_space<vmem>>[vector<16xi32>, vector<16xi32>, vector<16xi32>], vector<16xf32>,
        %mul3A_763 = arith.mulf %mul3A_342, %gather3A_762 : vector<16xf32>
        %add3A_764 = arith.addf %mul3A_759, %mul3A_763 : vector<16xf32>
        %broadcast_in_dim3A_765 = arith.constant 2 : i32
        %broadcast_in_dim3A_766 = vector.broadcast %broadcast_in_dim3A_765 : i32 to vector<16xi32>
        %gather3A_767 = tpu.vector_load_idx %arg15[%broadcast_in_dim3A_766, %add3A_350, %broadcast_in_dim3A_755] : memref<8x512x16xf32, #tpu.memory_space<vmem>>[vector<16xi32>, vector<16xi32>, vector<16xi32>], vector<16xf32>,
        %mul3A_768 = arith.mulf %mul3A_343, %gather3A_767 : vector<16xf32>
        %add3A_769 = arith.addf %add3A_764, %mul3A_768 : vector<16xf32>
        %broadcast_in_dim3A_770 = arith.constant 3 : i32
        %broadcast_in_dim3A_771 = vector.broadcast %broadcast_in_dim3A_770 : i32 to vector<16xi32>
        %gather3A_772 = tpu.vector_load_idx %arg15[%broadcast_in_dim3A_771, %add3A_350, %broadcast_in_dim3A_755] : memref<8x512x16xf32, #tpu.memory_space<vmem>>[vector<16xi32>, vector<16xi32>, vector<16xi32>], vector<16xf32>,
        %mul3A_773 = arith.mulf %mul3A_344, %gather3A_772 : vector<16xf32>
        %add3A_774 = arith.addf %add3A_769, %mul3A_773 : vector<16xf32>
        %broadcast_in_dim3A_775 = arith.constant 4 : i32
        %broadcast_in_dim3A_776 = vector.broadcast %broadcast_in_dim3A_775 : i32 to vector<16xi32>
        %gather3A_777 = tpu.vector_load_idx %arg15[%broadcast_in_dim3A_776, %add3A_350, %broadcast_in_dim3A_755] : memref<8x512x16xf32, #tpu.memory_space<vmem>>[vector<16xi32>, vector<16xi32>, vector<16xi32>], vector<16xf32>,
        %mul3A_778 = arith.mulf %mul3A_345, %gather3A_777 : vector<16xf32>
        %add3A_779 = arith.addf %add3A_774, %mul3A_778 : vector<16xf32>
        %broadcast_in_dim3A_780 = arith.constant 5 : i32
        %broadcast_in_dim3A_781 = vector.broadcast %broadcast_in_dim3A_780 : i32 to vector<16xi32>
        %gather3A_782 = tpu.vector_load_idx %arg15[%broadcast_in_dim3A_781, %add3A_350, %broadcast_in_dim3A_755] : memref<8x512x16xf32, #tpu.memory_space<vmem>>[vector<16xi32>, vector<16xi32>, vector<16xi32>], vector<16xf32>,
        %mul3A_783 = arith.mulf %mul3A_346, %gather3A_782 : vector<16xf32>
        %add3A_784 = arith.addf %add3A_779, %mul3A_783 : vector<16xf32>
        %broadcast_in_dim3A_785 = arith.constant 6 : i32
        %broadcast_in_dim3A_786 = vector.broadcast %broadcast_in_dim3A_785 : i32 to vector<16xi32>
        %gather3A_787 = tpu.vector_load_idx %arg15[%broadcast_in_dim3A_786, %add3A_350, %broadcast_in_dim3A_755] : memref<8x512x16xf32, #tpu.memory_space<vmem>>[vector<16xi32>, vector<16xi32>, vector<16xi32>], vector<16xf32>,
        %mul3A_788 = arith.mulf %mul3A_347, %gather3A_787 : vector<16xf32>
        %add3A_789 = arith.addf %add3A_784, %mul3A_788 : vector<16xf32>
        %broadcast_in_dim3A_790 = arith.constant 7 : i32
        %broadcast_in_dim3A_791 = vector.broadcast %broadcast_in_dim3A_790 : i32 to vector<16xi32>
        %gather3A_792 = tpu.vector_load_idx %arg15[%broadcast_in_dim3A_791, %add3A_350, %broadcast_in_dim3A_755] : memref<8x512x16xf32, #tpu.memory_space<vmem>>[vector<16xi32>, vector<16xi32>, vector<16xi32>], vector<16xf32>,
        %mul3A_793 = arith.mulf %mul3A_348, %gather3A_792 : vector<16xf32>
        %add3A_794 = arith.addf %add3A_789, %mul3A_793 : vector<16xf32>
        %swap3A_795 = arith.constant 9 : i32
        %swap3A_796 = arith.index_cast %swap3A_795 : i32 to index
        %swap3A_797 = arith.index_cast %mul3A_183 : i32 to index
        %swap3A_798 = tpu.vector_load %arg16[%swap3A_796, %swap3A_797] {strides = array<i32>} : memref<16x512xf32, #tpu.memory_space<vmem>>, vector<16xf32>,
        tpu.vector_store %arg16[%swap3A_796, %swap3A_797], %add3A_794 {strides = array<i32>} : memref<16x512xf32, #tpu.memory_space<vmem>>, vector<16xf32>,
        %broadcast_in_dim3A_799 = arith.constant 10 : i32
        %broadcast_in_dim3A_800 = vector.broadcast %broadcast_in_dim3A_799 : i32 to vector<16xi32>
        %broadcast_in_dim3A_801 = arith.constant 0 : i32
        %broadcast_in_dim3A_802 = vector.broadcast %broadcast_in_dim3A_801 : i32 to vector<16xi32>
        %gather3A_803 = tpu.vector_load_idx %arg15[%broadcast_in_dim3A_802, %add3A_350, %broadcast_in_dim3A_800] : memref<8x512x16xf32, #tpu.memory_space<vmem>>[vector<16xi32>, vector<16xi32>, vector<16xi32>], vector<16xf32>,
        %mul3A_804 = arith.mulf %mul3A_341, %gather3A_803 : vector<16xf32>
        %broadcast_in_dim3A_805 = arith.constant 1 : i32
        %broadcast_in_dim3A_806 = vector.broadcast %broadcast_in_dim3A_805 : i32 to vector<16xi32>
        %gather3A_807 = tpu.vector_load_idx %arg15[%broadcast_in_dim3A_806, %add3A_350, %broadcast_in_dim3A_800] : memref<8x512x16xf32, #tpu.memory_space<vmem>>[vector<16xi32>, vector<16xi32>, vector<16xi32>], vector<16xf32>,
        %mul3A_808 = arith.mulf %mul3A_342, %gather3A_807 : vector<16xf32>
        %add3A_809 = arith.addf %mul3A_804, %mul3A_808 : vector<16xf32>
        %broadcast_in_dim3A_810 = arith.constant 2 : i32
        %broadcast_in_dim3A_811 = vector.broadcast %broadcast_in_dim3A_810 : i32 to vector<16xi32>
        %gather3A_812 = tpu.vector_load_idx %arg15[%broadcast_in_dim3A_811, %add3A_350, %broadcast_in_dim3A_800] : memref<8x512x16xf32, #tpu.memory_space<vmem>>[vector<16xi32>, vector<16xi32>, vector<16xi32>], vector<16xf32>,
        %mul3A_813 = arith.mulf %mul3A_343, %gather3A_812 : vector<16xf32>
        %add3A_814 = arith.addf %add3A_809, %mul3A_813 : vector<16xf32>
        %broadcast_in_dim3A_815 = arith.constant 3 : i32
        %broadcast_in_dim3A_816 = vector.broadcast %broadcast_in_dim3A_815 : i32 to vector<16xi32>
        %gather3A_817 = tpu.vector_load_idx %arg15[%broadcast_in_dim3A_816, %add3A_350, %broadcast_in_dim3A_800] : memref<8x512x16xf32, #tpu.memory_space<vmem>>[vector<16xi32>, vector<16xi32>, vector<16xi32>], vector<16xf32>,
        %mul3A_818 = arith.mulf %mul3A_344, %gather3A_817 : vector<16xf32>
        %add3A_819 = arith.addf %add3A_814, %mul3A_818 : vector<16xf32>
        %broadcast_in_dim3A_820 = arith.constant 4 : i32
        %broadcast_in_dim3A_821 = vector.broadcast %broadcast_in_dim3A_820 : i32 to vector<16xi32>
        %gather3A_822 = tpu.vector_load_idx %arg15[%broadcast_in_dim3A_821, %add3A_350, %broadcast_in_dim3A_800] : memref<8x512x16xf32, #tpu.memory_space<vmem>>[vector<16xi32>, vector<16xi32>, vector<16xi32>], vector<16xf32>,
        %mul3A_823 = arith.mulf %mul3A_345, %gather3A_822 : vector<16xf32>
        %add3A_824 = arith.addf %add3A_819, %mul3A_823 : vector<16xf32>
        %broadcast_in_dim3A_825 = arith.constant 5 : i32
        %broadcast_in_dim3A_826 = vector.broadcast %broadcast_in_dim3A_825 : i32 to vector<16xi32>
        %gather3A_827 = tpu.vector_load_idx %arg15[%broadcast_in_dim3A_826, %add3A_350, %broadcast_in_dim3A_800] : memref<8x512x16xf32, #tpu.memory_space<vmem>>[vector<16xi32>, vector<16xi32>, vector<16xi32>], vector<16xf32>,
        %mul3A_828 = arith.mulf %mul3A_346, %gather3A_827 : vector<16xf32>
        %add3A_829 = arith.addf %add3A_824, %mul3A_828 : vector<16xf32>
        %broadcast_in_dim3A_830 = arith.constant 6 : i32
        %broadcast_in_dim3A_831 = vector.broadcast %broadcast_in_dim3A_830 : i32 to vector<16xi32>
        %gather3A_832 = tpu.vector_load_idx %arg15[%broadcast_in_dim3A_831, %add3A_350, %broadcast_in_dim3A_800] : memref<8x512x16xf32, #tpu.memory_space<vmem>>[vector<16xi32>, vector<16xi32>, vector<16xi32>], vector<16xf32>,
        %mul3A_833 = arith.mulf %mul3A_347, %gather3A_832 : vector<16xf32>
        %add3A_834 = arith.addf %add3A_829, %mul3A_833 : vector<16xf32>
        %broadcast_in_dim3A_835 = arith.constant 7 : i32
        %broadcast_in_dim3A_836 = vector.broadcast %broadcast_in_dim3A_835 : i32 to vector<16xi32>
        %gather3A_837 = tpu.vector_load_idx %arg15[%broadcast_in_dim3A_836, %add3A_350, %broadcast_in_dim3A_800] : memref<8x512x16xf32, #tpu.memory_space<vmem>>[vector<16xi32>, vector<16xi32>, vector<16xi32>], vector<16xf32>,
        %mul3A_838 = arith.mulf %mul3A_348, %gather3A_837 : vector<16xf32>
        %add3A_839 = arith.addf %add3A_834, %mul3A_838 : vector<16xf32>
        %swap3A_840 = arith.constant 10 : i32
        %swap3A_841 = arith.index_cast %swap3A_840 : i32 to index
        %swap3A_842 = arith.index_cast %mul3A_183 : i32 to index
        %swap3A_843 = tpu.vector_load %arg16[%swap3A_841, %swap3A_842] {strides = array<i32>} : memref<16x512xf32, #tpu.memory_space<vmem>>, vector<16xf32>,
        tpu.vector_store %arg16[%swap3A_841, %swap3A_842], %add3A_839 {strides = array<i32>} : memref<16x512xf32, #tpu.memory_space<vmem>>, vector<16xf32>,
        %broadcast_in_dim3A_844 = arith.constant 11 : i32
        %broadcast_in_dim3A_845 = vector.broadcast %broadcast_in_dim3A_844 : i32 to vector<16xi32>
        %broadcast_in_dim3A_846 = arith.constant 0 : i32
        %broadcast_in_dim3A_847 = vector.broadcast %broadcast_in_dim3A_846 : i32 to vector<16xi32>
        %gather3A_848 = tpu.vector_load_idx %arg15[%broadcast_in_dim3A_847, %add3A_350, %broadcast_in_dim3A_845] : memref<8x512x16xf32, #tpu.memory_space<vmem>>[vector<16xi32>, vector<16xi32>, vector<16xi32>], vector<16xf32>,
        %mul3A_849 = arith.mulf %mul3A_341, %gather3A_848 : vector<16xf32>
        %broadcast_in_dim3A_850 = arith.constant 1 : i32
        %broadcast_in_dim3A_851 = vector.broadcast %broadcast_in_dim3A_850 : i32 to vector<16xi32>
        %gather3A_852 = tpu.vector_load_idx %arg15[%broadcast_in_dim3A_851, %add3A_350, %broadcast_in_dim3A_845] : memref<8x512x16xf32, #tpu.memory_space<vmem>>[vector<16xi32>, vector<16xi32>, vector<16xi32>], vector<16xf32>,
        %mul3A_853 = arith.mulf %mul3A_342, %gather3A_852 : vector<16xf32>
        %add3A_854 = arith.addf %mul3A_849, %mul3A_853 : vector<16xf32>
        %broadcast_in_dim3A_855 = arith.constant 2 : i32
        %broadcast_in_dim3A_856 = vector.broadcast %broadcast_in_dim3A_855 : i32 to vector<16xi32>
        %gather3A_857 = tpu.vector_load_idx %arg15[%broadcast_in_dim3A_856, %add3A_350, %broadcast_in_dim3A_845] : memref<8x512x16xf32, #tpu.memory_space<vmem>>[vector<16xi32>, vector<16xi32>, vector<16xi32>], vector<16xf32>,
        %mul3A_858 = arith.mulf %mul3A_343, %gather3A_857 : vector<16xf32>
        %add3A_859 = arith.addf %add3A_854, %mul3A_858 : vector<16xf32>
        %broadcast_in_dim3A_860 = arith.constant 3 : i32
        %broadcast_in_dim3A_861 = vector.broadcast %broadcast_in_dim3A_860 : i32 to vector<16xi32>
        %gather3A_862 = tpu.vector_load_idx %arg15[%broadcast_in_dim3A_861, %add3A_350, %broadcast_in_dim3A_845] : memref<8x512x16xf32, #tpu.memory_space<vmem>>[vector<16xi32>, vector<16xi32>, vector<16xi32>], vector<16xf32>,
        %mul3A_863 = arith.mulf %mul3A_344, %gather3A_862 : vector<16xf32>
        %add3A_864 = arith.addf %add3A_859, %mul3A_863 : vector<16xf32>
        %broadcast_in_dim3A_865 = arith.constant 4 : i32
        %broadcast_in_dim3A_866 = vector.broadcast %broadcast_in_dim3A_865 : i32 to vector<16xi32>
        %gather3A_867 = tpu.vector_load_idx %arg15[%broadcast_in_dim3A_866, %add3A_350, %broadcast_in_dim3A_845] : memref<8x512x16xf32, #tpu.memory_space<vmem>>[vector<16xi32>, vector<16xi32>, vector<16xi32>], vector<16xf32>,
        %mul3A_868 = arith.mulf %mul3A_345, %gather3A_867 : vector<16xf32>
        %add3A_869 = arith.addf %add3A_864, %mul3A_868 : vector<16xf32>
        %broadcast_in_dim3A_870 = arith.constant 5 : i32
        %broadcast_in_dim3A_871 = vector.broadcast %broadcast_in_dim3A_870 : i32 to vector<16xi32>
        %gather3A_872 = tpu.vector_load_idx %arg15[%broadcast_in_dim3A_871, %add3A_350, %broadcast_in_dim3A_845] : memref<8x512x16xf32, #tpu.memory_space<vmem>>[vector<16xi32>, vector<16xi32>, vector<16xi32>], vector<16xf32>,
        %mul3A_873 = arith.mulf %mul3A_346, %gather3A_872 : vector<16xf32>
        %add3A_874 = arith.addf %add3A_869, %mul3A_873 : vector<16xf32>
        %broadcast_in_dim3A_875 = arith.constant 6 : i32
        %broadcast_in_dim3A_876 = vector.broadcast %broadcast_in_dim3A_875 : i32 to vector<16xi32>
        %gather3A_877 = tpu.vector_load_idx %arg15[%broadcast_in_dim3A_876, %add3A_350, %broadcast_in_dim3A_845] : memref<8x512x16xf32, #tpu.memory_space<vmem>>[vector<16xi32>, vector<16xi32>, vector<16xi32>], vector<16xf32>,
        %mul3A_878 = arith.mulf %mul3A_347, %gather3A_877 : vector<16xf32>
        %add3A_879 = arith.addf %add3A_874, %mul3A_878 : vector<16xf32>
        %broadcast_in_dim3A_880 = arith.constant 7 : i32
        %broadcast_in_dim3A_881 = vector.broadcast %broadcast_in_dim3A_880 : i32 to vector<16xi32>
        %gather3A_882 = tpu.vector_load_idx %arg15[%broadcast_in_dim3A_881, %add3A_350, %broadcast_in_dim3A_845] : memref<8x512x16xf32, #tpu.memory_space<vmem>>[vector<16xi32>, vector<16xi32>, vector<16xi32>], vector<16xf32>,
        %mul3A_883 = arith.mulf %mul3A_348, %gather3A_882 : vector<16xf32>
        %add3A_884 = arith.addf %add3A_879, %mul3A_883 : vector<16xf32>
        %swap3A_885 = arith.constant 11 : i32
        %swap3A_886 = arith.index_cast %swap3A_885 : i32 to index
        %swap3A_887 = arith.index_cast %mul3A_183 : i32 to index
        %swap3A_888 = tpu.vector_load %arg16[%swap3A_886, %swap3A_887] {strides = array<i32>} : memref<16x512xf32, #tpu.memory_space<vmem>>, vector<16xf32>,
        tpu.vector_store %arg16[%swap3A_886, %swap3A_887], %add3A_884 {strides = array<i32>} : memref<16x512xf32, #tpu.memory_space<vmem>>, vector<16xf32>,
        %broadcast_in_dim3A_889 = arith.constant 12 : i32
        %broadcast_in_dim3A_890 = vector.broadcast %broadcast_in_dim3A_889 : i32 to vector<16xi32>
        %broadcast_in_dim3A_891 = arith.constant 0 : i32
        %broadcast_in_dim3A_892 = vector.broadcast %broadcast_in_dim3A_891 : i32 to vector<16xi32>
        %gather3A_893 = tpu.vector_load_idx %arg15[%broadcast_in_dim3A_892, %add3A_350, %broadcast_in_dim3A_890] : memref<8x512x16xf32, #tpu.memory_space<vmem>>[vector<16xi32>, vector<16xi32>, vector<16xi32>], vector<16xf32>,
        %mul3A_894 = arith.mulf %mul3A_341, %gather3A_893 : vector<16xf32>
        %broadcast_in_dim3A_895 = arith.constant 1 : i32
        %broadcast_in_dim3A_896 = vector.broadcast %broadcast_in_dim3A_895 : i32 to vector<16xi32>
        %gather3A_897 = tpu.vector_load_idx %arg15[%broadcast_in_dim3A_896, %add3A_350, %broadcast_in_dim3A_890] : memref<8x512x16xf32, #tpu.memory_space<vmem>>[vector<16xi32>, vector<16xi32>, vector<16xi32>], vector<16xf32>,
        %mul3A_898 = arith.mulf %mul3A_342, %gather3A_897 : vector<16xf32>
        %add3A_899 = arith.addf %mul3A_894, %mul3A_898 : vector<16xf32>
        %broadcast_in_dim3A_900 = arith.constant 2 : i32
        %broadcast_in_dim3A_901 = vector.broadcast %broadcast_in_dim3A_900 : i32 to vector<16xi32>
        %gather3A_902 = tpu.vector_load_idx %arg15[%broadcast_in_dim3A_901, %add3A_350, %broadcast_in_dim3A_890] : memref<8x512x16xf32, #tpu.memory_space<vmem>>[vector<16xi32>, vector<16xi32>, vector<16xi32>], vector<16xf32>,
        %mul3A_903 = arith.mulf %mul3A_343, %gather3A_902 : vector<16xf32>
        %add3A_904 = arith.addf %add3A_899, %mul3A_903 : vector<16xf32>
        %broadcast_in_dim3A_905 = arith.constant 3 : i32
        %broadcast_in_dim3A_906 = vector.broadcast %broadcast_in_dim3A_905 : i32 to vector<16xi32>
        %gather3A_907 = tpu.vector_load_idx %arg15[%broadcast_in_dim3A_906, %add3A_350, %broadcast_in_dim3A_890] : memref<8x512x16xf32, #tpu.memory_space<vmem>>[vector<16xi32>, vector<16xi32>, vector<16xi32>], vector<16xf32>,
        %mul3A_908 = arith.mulf %mul3A_344, %gather3A_907 : vector<16xf32>
        %add3A_909 = arith.addf %add3A_904, %mul3A_908 : vector<16xf32>
        %broadcast_in_dim3A_910 = arith.constant 4 : i32
        %broadcast_in_dim3A_911 = vector.broadcast %broadcast_in_dim3A_910 : i32 to vector<16xi32>
        %gather3A_912 = tpu.vector_load_idx %arg15[%broadcast_in_dim3A_911, %add3A_350, %broadcast_in_dim3A_890] : memref<8x512x16xf32, #tpu.memory_space<vmem>>[vector<16xi32>, vector<16xi32>, vector<16xi32>], vector<16xf32>,
        %mul3A_913 = arith.mulf %mul3A_345, %gather3A_912 : vector<16xf32>
        %add3A_914 = arith.addf %add3A_909, %mul3A_913 : vector<16xf32>
        %broadcast_in_dim3A_915 = arith.constant 5 : i32
        %broadcast_in_dim3A_916 = vector.broadcast %broadcast_in_dim3A_915 : i32 to vector<16xi32>
        %gather3A_917 = tpu.vector_load_idx %arg15[%broadcast_in_dim3A_916, %add3A_350, %broadcast_in_dim3A_890] : memref<8x512x16xf32, #tpu.memory_space<vmem>>[vector<16xi32>, vector<16xi32>, vector<16xi32>], vector<16xf32>,
        %mul3A_918 = arith.mulf %mul3A_346, %gather3A_917 : vector<16xf32>
        %add3A_919 = arith.addf %add3A_914, %mul3A_918 : vector<16xf32>
        %broadcast_in_dim3A_920 = arith.constant 6 : i32
        %broadcast_in_dim3A_921 = vector.broadcast %broadcast_in_dim3A_920 : i32 to vector<16xi32>
        %gather3A_922 = tpu.vector_load_idx %arg15[%broadcast_in_dim3A_921, %add3A_350, %broadcast_in_dim3A_890] : memref<8x512x16xf32, #tpu.memory_space<vmem>>[vector<16xi32>, vector<16xi32>, vector<16xi32>], vector<16xf32>,
        %mul3A_923 = arith.mulf %mul3A_347, %gather3A_922 : vector<16xf32>
        %add3A_924 = arith.addf %add3A_919, %mul3A_923 : vector<16xf32>
        %broadcast_in_dim3A_925 = arith.constant 7 : i32
        %broadcast_in_dim3A_926 = vector.broadcast %broadcast_in_dim3A_925 : i32 to vector<16xi32>
        %gather3A_927 = tpu.vector_load_idx %arg15[%broadcast_in_dim3A_926, %add3A_350, %broadcast_in_dim3A_890] : memref<8x512x16xf32, #tpu.memory_space<vmem>>[vector<16xi32>, vector<16xi32>, vector<16xi32>], vector<16xf32>,
        %mul3A_928 = arith.mulf %mul3A_348, %gather3A_927 : vector<16xf32>
        %add3A_929 = arith.addf %add3A_924, %mul3A_928 : vector<16xf32>
        %swap3A_930 = arith.constant 12 : i32
        %swap3A_931 = arith.index_cast %swap3A_930 : i32 to index
        %swap3A_932 = arith.index_cast %mul3A_183 : i32 to index
        %swap3A_933 = tpu.vector_load %arg16[%swap3A_931, %swap3A_932] {strides = array<i32>} : memref<16x512xf32, #tpu.memory_space<vmem>>, vector<16xf32>,
        tpu.vector_store %arg16[%swap3A_931, %swap3A_932], %add3A_929 {strides = array<i32>} : memref<16x512xf32, #tpu.memory_space<vmem>>, vector<16xf32>,
        %broadcast_in_dim3A_934 = arith.constant 13 : i32
        %broadcast_in_dim3A_935 = vector.broadcast %broadcast_in_dim3A_934 : i32 to vector<16xi32>
        %broadcast_in_dim3A_936 = arith.constant 0 : i32
        %broadcast_in_dim3A_937 = vector.broadcast %broadcast_in_dim3A_936 : i32 to vector<16xi32>
        %gather3A_938 = tpu.vector_load_idx %arg15[%broadcast_in_dim3A_937, %add3A_350, %broadcast_in_dim3A_935] : memref<8x512x16xf32, #tpu.memory_space<vmem>>[vector<16xi32>, vector<16xi32>, vector<16xi32>], vector<16xf32>,
        %mul3A_939 = arith.mulf %mul3A_341, %gather3A_938 : vector<16xf32>
        %broadcast_in_dim3A_940 = arith.constant 1 : i32
        %broadcast_in_dim3A_941 = vector.broadcast %broadcast_in_dim3A_940 : i32 to vector<16xi32>
        %gather3A_942 = tpu.vector_load_idx %arg15[%broadcast_in_dim3A_941, %add3A_350, %broadcast_in_dim3A_935] : memref<8x512x16xf32, #tpu.memory_space<vmem>>[vector<16xi32>, vector<16xi32>, vector<16xi32>], vector<16xf32>,
        %mul3A_943 = arith.mulf %mul3A_342, %gather3A_942 : vector<16xf32>
        %add3A_944 = arith.addf %mul3A_939, %mul3A_943 : vector<16xf32>
        %broadcast_in_dim3A_945 = arith.constant 2 : i32
        %broadcast_in_dim3A_946 = vector.broadcast %broadcast_in_dim3A_945 : i32 to vector<16xi32>
        %gather3A_947 = tpu.vector_load_idx %arg15[%broadcast_in_dim3A_946, %add3A_350, %broadcast_in_dim3A_935] : memref<8x512x16xf32, #tpu.memory_space<vmem>>[vector<16xi32>, vector<16xi32>, vector<16xi32>], vector<16xf32>,
        %mul3A_948 = arith.mulf %mul3A_343, %gather3A_947 : vector<16xf32>
        %add3A_949 = arith.addf %add3A_944, %mul3A_948 : vector<16xf32>
        %broadcast_in_dim3A_950 = arith.constant 3 : i32
        %broadcast_in_dim3A_951 = vector.broadcast %broadcast_in_dim3A_950 : i32 to vector<16xi32>
        %gather3A_952 = tpu.vector_load_idx %arg15[%broadcast_in_dim3A_951, %add3A_350, %broadcast_in_dim3A_935] : memref<8x512x16xf32, #tpu.memory_space<vmem>>[vector<16xi32>, vector<16xi32>, vector<16xi32>], vector<16xf32>,
        %mul3A_953 = arith.mulf %mul3A_344, %gather3A_952 : vector<16xf32>
        %add3A_954 = arith.addf %add3A_949, %mul3A_953 : vector<16xf32>
        %broadcast_in_dim3A_955 = arith.constant 4 : i32
        %broadcast_in_dim3A_956 = vector.broadcast %broadcast_in_dim3A_955 : i32 to vector<16xi32>
        %gather3A_957 = tpu.vector_load_idx %arg15[%broadcast_in_dim3A_956, %add3A_350, %broadcast_in_dim3A_935] : memref<8x512x16xf32, #tpu.memory_space<vmem>>[vector<16xi32>, vector<16xi32>, vector<16xi32>], vector<16xf32>,
        %mul3A_958 = arith.mulf %mul3A_345, %gather3A_957 : vector<16xf32>
        %add3A_959 = arith.addf %add3A_954, %mul3A_958 : vector<16xf32>
        %broadcast_in_dim3A_960 = arith.constant 5 : i32
        %broadcast_in_dim3A_961 = vector.broadcast %broadcast_in_dim3A_960 : i32 to vector<16xi32>
        %gather3A_962 = tpu.vector_load_idx %arg15[%broadcast_in_dim3A_961, %add3A_350, %broadcast_in_dim3A_935] : memref<8x512x16xf32, #tpu.memory_space<vmem>>[vector<16xi32>, vector<16xi32>, vector<16xi32>], vector<16xf32>,
        %mul3A_963 = arith.mulf %mul3A_346, %gather3A_962 : vector<16xf32>
        %add3A_964 = arith.addf %add3A_959, %mul3A_963 : vector<16xf32>
        %broadcast_in_dim3A_965 = arith.constant 6 : i32
        %broadcast_in_dim3A_966 = vector.broadcast %broadcast_in_dim3A_965 : i32 to vector<16xi32>
        %gather3A_967 = tpu.vector_load_idx %arg15[%broadcast_in_dim3A_966, %add3A_350, %broadcast_in_dim3A_935] : memref<8x512x16xf32, #tpu.memory_space<vmem>>[vector<16xi32>, vector<16xi32>, vector<16xi32>], vector<16xf32>,
        %mul3A_968 = arith.mulf %mul3A_347, %gather3A_967 : vector<16xf32>
        %add3A_969 = arith.addf %add3A_964, %mul3A_968 : vector<16xf32>
        %broadcast_in_dim3A_970 = arith.constant 7 : i32
        %broadcast_in_dim3A_971 = vector.broadcast %broadcast_in_dim3A_970 : i32 to vector<16xi32>
        %gather3A_972 = tpu.vector_load_idx %arg15[%broadcast_in_dim3A_971, %add3A_350, %broadcast_in_dim3A_935] : memref<8x512x16xf32, #tpu.memory_space<vmem>>[vector<16xi32>, vector<16xi32>, vector<16xi32>], vector<16xf32>,
        %mul3A_973 = arith.mulf %mul3A_348, %gather3A_972 : vector<16xf32>
        %add3A_974 = arith.addf %add3A_969, %mul3A_973 : vector<16xf32>
        %swap3A_975 = arith.constant 13 : i32
        %swap3A_976 = arith.index_cast %swap3A_975 : i32 to index
        %swap3A_977 = arith.index_cast %mul3A_183 : i32 to index
        %swap3A_978 = tpu.vector_load %arg16[%swap3A_976, %swap3A_977] {strides = array<i32>} : memref<16x512xf32, #tpu.memory_space<vmem>>, vector<16xf32>,
        tpu.vector_store %arg16[%swap3A_976, %swap3A_977], %add3A_974 {strides = array<i32>} : memref<16x512xf32, #tpu.memory_space<vmem>>, vector<16xf32>,
        %broadcast_in_dim3A_979 = arith.constant 14 : i32
        %broadcast_in_dim3A_980 = vector.broadcast %broadcast_in_dim3A_979 : i32 to vector<16xi32>
        %broadcast_in_dim3A_981 = arith.constant 0 : i32
        %broadcast_in_dim3A_982 = vector.broadcast %broadcast_in_dim3A_981 : i32 to vector<16xi32>
        %gather3A_983 = tpu.vector_load_idx %arg15[%broadcast_in_dim3A_982, %add3A_350, %broadcast_in_dim3A_980] : memref<8x512x16xf32, #tpu.memory_space<vmem>>[vector<16xi32>, vector<16xi32>, vector<16xi32>], vector<16xf32>,
        %mul3A_984 = arith.mulf %mul3A_341, %gather3A_983 : vector<16xf32>
        %broadcast_in_dim3A_985 = arith.constant 1 : i32
        %broadcast_in_dim3A_986 = vector.broadcast %broadcast_in_dim3A_985 : i32 to vector<16xi32>
        %gather3A_987 = tpu.vector_load_idx %arg15[%broadcast_in_dim3A_986, %add3A_350, %broadcast_in_dim3A_980] : memref<8x512x16xf32, #tpu.memory_space<vmem>>[vector<16xi32>, vector<16xi32>, vector<16xi32>], vector<16xf32>,
        %mul3A_988 = arith.mulf %mul3A_342, %gather3A_987 : vector<16xf32>
        %add3A_989 = arith.addf %mul3A_984, %mul3A_988 : vector<16xf32>
        %broadcast_in_dim3A_990 = arith.constant 2 : i32
        %broadcast_in_dim3A_991 = vector.broadcast %broadcast_in_dim3A_990 : i32 to vector<16xi32>
        %gather3A_992 = tpu.vector_load_idx %arg15[%broadcast_in_dim3A_991, %add3A_350, %broadcast_in_dim3A_980] : memref<8x512x16xf32, #tpu.memory_space<vmem>>[vector<16xi32>, vector<16xi32>, vector<16xi32>], vector<16xf32>,
        %mul3A_993 = arith.mulf %mul3A_343, %gather3A_992 : vector<16xf32>
        %add3A_994 = arith.addf %add3A_989, %mul3A_993 : vector<16xf32>
        %broadcast_in_dim3A_995 = arith.constant 3 : i32
        %broadcast_in_dim3A_996 = vector.broadcast %broadcast_in_dim3A_995 : i32 to vector<16xi32>
        %gather3A_997 = tpu.vector_load_idx %arg15[%broadcast_in_dim3A_996, %add3A_350, %broadcast_in_dim3A_980] : memref<8x512x16xf32, #tpu.memory_space<vmem>>[vector<16xi32>, vector<16xi32>, vector<16xi32>], vector<16xf32>,
        %mul3A_998 = arith.mulf %mul3A_344, %gather3A_997 : vector<16xf32>
        %add3A_999 = arith.addf %add3A_994, %mul3A_998 : vector<16xf32>
        %broadcast_in_dim3A_1000 = arith.constant 4 : i32
        %broadcast_in_dim3A_1001 = vector.broadcast %broadcast_in_dim3A_1000 : i32 to vector<16xi32>
        %gather3A_1002 = tpu.vector_load_idx %arg15[%broadcast_in_dim3A_1001, %add3A_350, %broadcast_in_dim3A_980] : memref<8x512x16xf32, #tpu.memory_space<vmem>>[vector<16xi32>, vector<16xi32>, vector<16xi32>], vector<16xf32>,
        %mul3A_1003 = arith.mulf %mul3A_345, %gather3A_1002 : vector<16xf32>
        %add3A_1004 = arith.addf %add3A_999, %mul3A_1003 : vector<16xf32>
        %broadcast_in_dim3A_1005 = arith.constant 5 : i32
        %broadcast_in_dim3A_1006 = vector.broadcast %broadcast_in_dim3A_1005 : i32 to vector<16xi32>
        %gather3A_1007 = tpu.vector_load_idx %arg15[%broadcast_in_dim3A_1006, %add3A_350, %broadcast_in_dim3A_980] : memref<8x512x16xf32, #tpu.memory_space<vmem>>[vector<16xi32>, vector<16xi32>, vector<16xi32>], vector<16xf32>,
        %mul3A_1008 = arith.mulf %mul3A_346, %gather3A_1007 : vector<16xf32>
        %add3A_1009 = arith.addf %add3A_1004, %mul3A_1008 : vector<16xf32>
        %broadcast_in_dim3A_1010 = arith.constant 6 : i32
        %broadcast_in_dim3A_1011 = vector.broadcast %broadcast_in_dim3A_1010 : i32 to vector<16xi32>
        %gather3A_1012 = tpu.vector_load_idx %arg15[%broadcast_in_dim3A_1011, %add3A_350, %broadcast_in_dim3A_980] : memref<8x512x16xf32, #tpu.memory_space<vmem>>[vector<16xi32>, vector<16xi32>, vector<16xi32>], vector<16xf32>,
        %mul3A_1013 = arith.mulf %mul3A_347, %gather3A_1012 : vector<16xf32>
        %add3A_1014 = arith.addf %add3A_1009, %mul3A_1013 : vector<16xf32>
        %broadcast_in_dim3A_1015 = arith.constant 7 : i32
        %broadcast_in_dim3A_1016 = vector.broadcast %broadcast_in_dim3A_1015 : i32 to vector<16xi32>
        %gather3A_1017 = tpu.vector_load_idx %arg15[%broadcast_in_dim3A_1016, %add3A_350, %broadcast_in_dim3A_980] : memref<8x512x16xf32, #tpu.memory_space<vmem>>[vector<16xi32>, vector<16xi32>, vector<16xi32>], vector<16xf32>,
        %mul3A_1018 = arith.mulf %mul3A_348, %gather3A_1017 : vector<16xf32>
        %add3A_1019 = arith.addf %add3A_1014, %mul3A_1018 : vector<16xf32>
        %swap3A_1020 = arith.constant 14 : i32
        %swap3A_1021 = arith.index_cast %swap3A_1020 : i32 to index
        %swap3A_1022 = arith.index_cast %mul3A_183 : i32 to index
        %swap3A_1023 = tpu.vector_load %arg16[%swap3A_1021, %swap3A_1022] {strides = array<i32>} : memref<16x512xf32, #tpu.memory_space<vmem>>, vector<16xf32>,
        tpu.vector_store %arg16[%swap3A_1021, %swap3A_1022], %add3A_1019 {strides = array<i32>} : memref<16x512xf32, #tpu.memory_space<vmem>>, vector<16xf32>,
        %broadcast_in_dim3A_1024 = arith.constant 15 : i32
        %broadcast_in_dim3A_1025 = vector.broadcast %broadcast_in_dim3A_1024 : i32 to vector<16xi32>
        %broadcast_in_dim3A_1026 = arith.constant 0 : i32
        %broadcast_in_dim3A_1027 = vector.broadcast %broadcast_in_dim3A_1026 : i32 to vector<16xi32>
        %gather3A_1028 = tpu.vector_load_idx %arg15[%broadcast_in_dim3A_1027, %add3A_350, %broadcast_in_dim3A_1025] : memref<8x512x16xf32, #tpu.memory_space<vmem>>[vector<16xi32>, vector<16xi32>, vector<16xi32>], vector<16xf32>,
        %mul3A_1029 = arith.mulf %mul3A_341, %gather3A_1028 : vector<16xf32>
        %broadcast_in_dim3A_1030 = arith.constant 1 : i32
        %broadcast_in_dim3A_1031 = vector.broadcast %broadcast_in_dim3A_1030 : i32 to vector<16xi32>
        %gather3A_1032 = tpu.vector_load_idx %arg15[%broadcast_in_dim3A_1031, %add3A_350, %broadcast_in_dim3A_1025] : memref<8x512x16xf32, #tpu.memory_space<vmem>>[vector<16xi32>, vector<16xi32>, vector<16xi32>], vector<16xf32>,
        %mul3A_1033 = arith.mulf %mul3A_342, %gather3A_1032 : vector<16xf32>
        %add3A_1034 = arith.addf %mul3A_1029, %mul3A_1033 : vector<16xf32>
        %broadcast_in_dim3A_1035 = arith.constant 2 : i32
        %broadcast_in_dim3A_1036 = vector.broadcast %broadcast_in_dim3A_1035 : i32 to vector<16xi32>
        %gather3A_1037 = tpu.vector_load_idx %arg15[%broadcast_in_dim3A_1036, %add3A_350, %broadcast_in_dim3A_1025] : memref<8x512x16xf32, #tpu.memory_space<vmem>>[vector<16xi32>, vector<16xi32>, vector<16xi32>], vector<16xf32>,
        %mul3A_1038 = arith.mulf %mul3A_343, %gather3A_1037 : vector<16xf32>
        %add3A_1039 = arith.addf %add3A_1034, %mul3A_1038 : vector<16xf32>
        %broadcast_in_dim3A_1040 = arith.constant 3 : i32
        %broadcast_in_dim3A_1041 = vector.broadcast %broadcast_in_dim3A_1040 : i32 to vector<16xi32>
        %gather3A_1042 = tpu.vector_load_idx %arg15[%broadcast_in_dim3A_1041, %add3A_350, %broadcast_in_dim3A_1025] : memref<8x512x16xf32, #tpu.memory_space<vmem>>[vector<16xi32>, vector<16xi32>, vector<16xi32>], vector<16xf32>,
        %mul3A_1043 = arith.mulf %mul3A_344, %gather3A_1042 : vector<16xf32>
        %add3A_1044 = arith.addf %add3A_1039, %mul3A_1043 : vector<16xf32>
        %broadcast_in_dim3A_1045 = arith.constant 4 : i32
        %broadcast_in_dim3A_1046 = vector.broadcast %broadcast_in_dim3A_1045 : i32 to vector<16xi32>
        %gather3A_1047 = tpu.vector_load_idx %arg15[%broadcast_in_dim3A_1046, %add3A_350, %broadcast_in_dim3A_1025] : memref<8x512x16xf32, #tpu.memory_space<vmem>>[vector<16xi32>, vector<16xi32>, vector<16xi32>], vector<16xf32>,
        %mul3A_1048 = arith.mulf %mul3A_345, %gather3A_1047 : vector<16xf32>
        %add3A_1049 = arith.addf %add3A_1044, %mul3A_1048 : vector<16xf32>
        %broadcast_in_dim3A_1050 = arith.constant 5 : i32
        %broadcast_in_dim3A_1051 = vector.broadcast %broadcast_in_dim3A_1050 : i32 to vector<16xi32>
        %gather3A_1052 = tpu.vector_load_idx %arg15[%broadcast_in_dim3A_1051, %add3A_350, %broadcast_in_dim3A_1025] : memref<8x512x16xf32, #tpu.memory_space<vmem>>[vector<16xi32>, vector<16xi32>, vector<16xi32>], vector<16xf32>,
        %mul3A_1053 = arith.mulf %mul3A_346, %gather3A_1052 : vector<16xf32>
        %add3A_1054 = arith.addf %add3A_1049, %mul3A_1053 : vector<16xf32>
        %broadcast_in_dim3A_1055 = arith.constant 6 : i32
        %broadcast_in_dim3A_1056 = vector.broadcast %broadcast_in_dim3A_1055 : i32 to vector<16xi32>
        %gather3A_1057 = tpu.vector_load_idx %arg15[%broadcast_in_dim3A_1056, %add3A_350, %broadcast_in_dim3A_1025] : memref<8x512x16xf32, #tpu.memory_space<vmem>>[vector<16xi32>, vector<16xi32>, vector<16xi32>], vector<16xf32>,
        %mul3A_1058 = arith.mulf %mul3A_347, %gather3A_1057 : vector<16xf32>
        %add3A_1059 = arith.addf %add3A_1054, %mul3A_1058 : vector<16xf32>
        %broadcast_in_dim3A_1060 = arith.constant 7 : i32
        %broadcast_in_dim3A_1061 = vector.broadcast %broadcast_in_dim3A_1060 : i32 to vector<16xi32>
        %gather3A_1062 = tpu.vector_load_idx %arg15[%broadcast_in_dim3A_1061, %add3A_350, %broadcast_in_dim3A_1025] : memref<8x512x16xf32, #tpu.memory_space<vmem>>[vector<16xi32>, vector<16xi32>, vector<16xi32>], vector<16xf32>,
        %mul3A_1063 = arith.mulf %mul3A_348, %gather3A_1062 : vector<16xf32>
        %add3A_1064 = arith.addf %add3A_1059, %mul3A_1063 : vector<16xf32>
        %swap3A_1065 = arith.constant 15 : i32
        %swap3A_1066 = arith.index_cast %swap3A_1065 : i32 to index
        %swap3A_1067 = arith.index_cast %mul3A_183 : i32 to index
        %swap3A_1068 = tpu.vector_load %arg16[%swap3A_1066, %swap3A_1067] {strides = array<i32>} : memref<16x512xf32, #tpu.memory_space<vmem>>, vector<16xf32>,
        tpu.vector_store %arg16[%swap3A_1066, %swap3A_1067], %add3A_1064 {strides = array<i32>} : memref<16x512xf32, #tpu.memory_space<vmem>>, vector<16xf32>,
      }
      %scan3A_180 = arith.constant 32 : i32
      "tpu.region"() ({
        %run_scoped3A_181 = tpu.sem_alloc : memref<!tpu.dma_semaphore, #tpu.memory_space<semaphore_mem>>
        %dma_start3A_182 = arith.constant 0 : i32
        %dma_start3A_183 = tpu.memref_slice %arg5[%select_n3A, %dma_start3A_182, %add3A_41] : memref<4x16x147456xf32, #tpu.memory_space<hbm>> -> memref<1x16x512xf32, #tpu.memory_space<hbm>>
        %dma_start3A_184 = tpu.memref_squeeze %dma_start3A_183 : memref<1x16x512xf32, #tpu.memory_space<hbm>> -> memref<16x512xf32, #tpu.memory_space<hbm>>
        %dma_start3A_185 = arith.constant 0 : i32
        %dma_start3A_186 = tpu.memref_slice %arg5[%select_n3A, %dma_start3A_185, %add3A_41] : memref<4x16x147456xf32, #tpu.memory_space<hbm>> -> memref<1x16x512xf32, #tpu.memory_space<hbm>>
        %dma_start3A_187 = tpu.memref_squeeze %dma_start3A_186 : memref<1x16x512xf32, #tpu.memory_space<hbm>> -> memref<16x512xf32, #tpu.memory_space<hbm>>
        tpu.enqueue_dma source(%arg16 : memref<16x512xf32, #tpu.memory_space<vmem>>) target(%dma_start3A_187 : memref<16x512xf32, #tpu.memory_space<hbm>>) target_semaphore(%run_scoped3A_181 : memref<!tpu.dma_semaphore, #tpu.memory_space<semaphore_mem>>)
        %dma_wait3A_188 = arith.constant 0 : i32
        %dma_wait3A_189 = tpu.memref_slice %arg5[%select_n3A, %dma_wait3A_188, %add3A_41] : memref<4x16x147456xf32, #tpu.memory_space<hbm>> -> memref<1x16x512xf32, #tpu.memory_space<hbm>>
        %dma_wait3A_190 = tpu.memref_squeeze %dma_wait3A_189 : memref<1x16x512xf32, #tpu.memory_space<hbm>> -> memref<16x512xf32, #tpu.memory_space<hbm>>
        %dma_wait3A_191 = arith.constant 0 : i32
        %dma_wait3A_192 = tpu.memref_slice %arg5[%select_n3A, %dma_wait3A_191, %add3A_41] : memref<4x16x147456xf32, #tpu.memory_space<hbm>> -> memref<1x16x512xf32, #tpu.memory_space<hbm>>
        %dma_wait3A_193 = tpu.memref_squeeze %dma_wait3A_192 : memref<1x16x512xf32, #tpu.memory_space<hbm>> -> memref<16x512xf32, #tpu.memory_space<hbm>>
        tpu.wait_dma2 semaphore(%run_scoped3A_181 : memref<!tpu.dma_semaphore, #tpu.memory_space<semaphore_mem>>) src(%arg16 : memref<16x512xf32, #tpu.memory_space<vmem>>) dst(%dma_wait3A_193 : memref<16x512xf32, #tpu.memory_space<hbm>>)
        tpu.yield
      }) : () -> ()
    }
    %scan3A_5 = arith.constant 36 : i32
    return
  }
}

</mosaic_0001>

<sc_bundles>
// kernel: kernel.3.cloned.1.call-start
scs
__scs_entry_jumppad:
0x0: {  	(pc) =	sbr.rel $0x88, $3  }
0x1: {  	(tag) =	ssettag $0x0;
	lr =	simm.s32 $0x1  }
0x2: {  	[smem:$0x3F9E] =	sst lr;
	_ =	strace $0xD0000000  }
0x3: {  	_ = 	snop  }
0x4: {  	_ = 	snop  }
0x5: {  	_ = 	snop  }
0x6: {  	_ = 	snop  }
0x7: {  	_ = 	snop  }
__scs_overlays_trampoline_lowered:
0x8: {  	[smem:$0x3FAD] =	sst s0  }
0x9: {  	[smem:$0x3FAE] =	sst s1  }
0xa: {  	[smem:$0x3FAF] =	sst s2  }
0xb: {  	[smem:$0x3FB0] =	sst s3  }
0xc: {  	[smem:$0x3FB1] =	sst s4  }
0xd: {  	[smem:$0x3FB2] =	sst s5  }
0xe: {  	[smem:$0x3FB3] =	sst s6  }
0xf: {  	[smem:$0x3FB4] =	sst s7  }
0x10: {  	[smem:$0x3FB5] =	sst s8  }
0x11: {  	[smem:$0x3FB6] =	sst s9;
	s0 =	simm.s32 @!p0 $0x0  }
0x12: {  	s1 =	sld [smem:$0x3F9C];
	s0 =	simm.s32 @p0 $0x1  }
0x13: {  	[smem:$0x3FB7] =	sst s0;
	s0 =	simm.s32 @!p1 $0x0  }
0x14: {  	s2 =	sld [smem:$0x3F9B];
	s0 =	simm.s32 @p1 $0x1  }
0x15: {  	[smem:$0x3FB8] =	sst s0;
	s0 =	simm.s32 @!p2 $0x0  }
0x16: {  	s3 =	sld [smem:$0x3FDB];
	s0 =	simm.s32 @p2 $0x1  }
0x17: {  	s4 =	simm.s32 $0x1BF5;
	[smem:$0x3FBA] =	sst s0  }
0x18: {  	s0 =	sld [smem:$0x3F9D];
	_ =	swait.ge [sflag:s4], $0x0  }
0x19: {  	s7 =	sld [smem:$0x3F9E]  }
0x1a: {  	s8 =	sadd.s32 $0xFFFFE003, lr  }
0x1b: {  	s9 =	sadd.s32 $0xFFFFFEF7, lr;
	s5 =	simm.s32 $0xFFFFFFFF;
	p2 =	slt.u32 s8, $0xFFFFF086  }
0x1c: {  	p1 =	slt.u32 s9, $0xF7A;
	s5 =	simm.s32 @!p2 $0x0  }
0x1d: {  	s5 =	simm.s32 @p1 $0x1;
	p0 =	seq.s32 s7, s2  }
0x1e: {  	s7 =	smul.u32 @!p0 $0xF7A, s2;
	p2 =	seq.s32 @!p0 s5, $0x0  }
0x1f: {  	s9 =	smul.u32 $0xF7A, s1;
	s8 =	simm.s32 @!p0 $0x1BF5;
	p2 =	por !p2, p0  }
0x20: {  	[sflag:s8] =	ssyncset.s32 @!p0 $0xFFFFF086;
	s6 =	sadd.s32 @!p0 s3, s7;
	s7 =	simm.s32 @!p0 $0x108  }
0x21: {  	s3 =	sadd.s32 s3, s9;
	s6 =	sadd.s32 @!p0 $0x88, s6;
	s7 =	simm.s32 @p2 $0x1082  }
0x22: {  	[simem:s7], [sflag:s8] =	dma.local @!p0 [hbm:s6], $0xF7A  }
0x23: {  	s9 =	sor.u32 $0xD0000000, s2;
	s6 =	simm.s32 $0x108;
	_ =	swait.ge @!p0 [sflag:s8], $0x0  }
0x24: {  	s3 =	sadd.s32 $0x88, s3;
	s6 =	simm.s32 @!p1 $0x1082;
	[sflag:s4] =	ssyncset.s32 $0xFFFFF086  }
0x25: {  	[simem:s6], [sflag:s4] =	dma.local [hbm:s3], $0xF7A  }
0x26: {  	[smem:$0x3F9E] =	sst s1;
	(tag) =	ssettag s2;
	_ =	strace s9  }
0x27: {  	s1 =	sld [smem:$0x3FAE]  }
0x28: {  	s2 =	sld [smem:$0x3FAF]  }
0x29: {  	s4 =	sld [smem:$0x3FB1]  }
0x2a: {  	p0 =	seq.s32 s5, $0x0;
	s5 =	sld [smem:$0x3FB2]  }
0x2b: {  	s6 =	sld [smem:$0x3FB3]  }
0x2c: {  	s7 =	sld [smem:$0x3FB4]  }
0x2d: {  	s3 =	simm.s32 $0x108;
	s8 =	sld [smem:$0x3FB5]  }
0x2e: {  	s3 =	simm.s32 @!p0 $0x1082;
	s9 =	sld [smem:$0x3FB6]  }
0x2f: {  	lr =	sadd.s32 s0, s3;
	s0 =	sld [smem:$0x3FAD]  }
0x30: {  	s3 =	sld [smem:$0x3FB0]  }
0x31: {  	[smem:$0x3FB9] =	sst s10  }
0x32: {  	s10 =	sld [smem:$0x3FB7];
	_ =	sdelay $0x3  }
0x33: {  	p0 =	seq.s32 s10, $0x1;
	s10 =	sld [smem:$0x3FB9];
	_ =	sdelay $0x3  }
0x34: {  	[smem:$0x3FB9] =	sst s10  }
0x35: {  	s10 =	sld [smem:$0x3FB8];
	_ =	sdelay $0x3  }
0x36: {  	p1 =	seq.s32 s10, $0x1;
	s10 =	sld [smem:$0x3FB9];
	_ =	sdelay $0x3  }
0x37: {  	[smem:$0x3FB9] =	sst s10  }
0x38: {  	s10 =	sld [smem:$0x3FBA]  }
0x39: {  	_ = 	snop;
	(pc) =	sbr.ind lr, $3  }
0x3a: {  	_ = 	snop  }
0x3b: {  	_ = 	snop  }
0x3c: {  	p2 =	seq.s32 s10, $0x1;
	s10 =	sld [smem:$0x3FB9]  }
0x3d: {  	_ =	shalt  }
0x3e: {  	_ =	shalt  }
0x3f: {  	_ =	shalt  }
0x40: {  	_ =	shalt  }
0x41: {  	_ =	shalt  }
0x42: {  	_ =	shalt  }
0x43: {  	_ =	shalt  }
0x44: {  	_ =	shalt  }
0x45: {  	_ =	shalt  }
0x46: {  	_ =	shalt  }
0x47: {  	_ =	shalt  }
0x48: {  	_ =	shalt  }
0x49: {  	_ =	shalt  }
0x4a: {  	_ =	shalt  }
0x4b: {  	_ =	shalt  }
0x4c: {  	_ =	shalt  }
0x4d: {  	_ =	shalt  }
0x4e: {  	_ =	shalt  }
0x4f: {  	_ =	shalt  }
0x50: {  	_ =	shalt  }
0x51: {  	_ =	shalt  }
0x52: {  	_ =	shalt  }
0x53: {  	_ =	shalt  }
0x54: {  	_ =	shalt  }
0x55: {  	_ =	shalt  }
0x56: {  	_ =	shalt  }
0x57: {  	_ =	shalt  }
0x58: {  	_ =	shalt  }
0x59: {  	_ =	shalt  }
0x5a: {  	_ =	shalt  }
0x5b: {  	_ =	shalt  }
0x5c: {  	_ =	shalt  }
0x5d: {  	_ =	shalt  }
0x5e: {  	_ =	shalt  }
0x5f: {  	_ =	shalt  }
0x60: {  	_ =	shalt  }
0x61: {  	_ =	shalt  }
0x62: {  	_ =	shalt  }
0x63: {  	_ =	shalt  }
0x64: {  	_ =	shalt  }
0x65: {  	_ =	shalt  }
0x66: {  	_ =	shalt  }
0x67: {  	_ =	shalt  }
0x68: {  	_ =	shalt  }
0x69: {  	_ =	shalt  }
0x6a: {  	_ =	shalt  }
0x6b: {  	_ =	shalt  }
0x6c: {  	_ =	shalt  }
0x6d: {  	_ =	shalt  }
0x6e: {  	_ =	shalt  }
0x6f: {  	_ =	shalt  }
0x70: {  	_ =	shalt  }
0x71: {  	_ =	shalt  }
0x72: {  	_ =	shalt  }
0x73: {  	_ =	shalt  }
0x74: {  	_ =	shalt  }
0x75: {  	_ =	shalt  }
0x76: {  	_ =	shalt  }
0x77: {  	_ =	shalt  }
0x78: {  	_ =	shalt  }
0x79: {  	_ =	shalt  }
0x7a: {  	_ =	shalt  }
0x7b: {  	_ =	shalt  }
0x7c: {  	_ =	shalt  }
0x7d: {  	_ =	shalt  }
0x7e: {  	_ =	shalt  }
0x7f: {  	_ =	shalt  }
0x80: {  	_ =	shalt  }
0x81: {  	_ =	shalt  }
0x82: {  	_ =	shalt  }
0x83: {  	_ =	shalt  }
0x84: {  	_ =	shalt  }
0x85: {  	_ =	shalt  }
0x86: {  	_ =	shalt  }
0x87: {  	_ =	shalt  }
.Lfunc_end0:
.L_simem_size_0:
called_computation_lowered:
.L_overlay_start_0:
0x88: {  	s2 =	sld [smem:$0x3FD9]  }
0x89: {  	s3 =	sld [smem:$0x3FFE];
	_ =	sdelay $0x1  }
0x8a: {  	s1 =	srdreg.scid  }
0x8b: {  	s0 =	sand.u32 $0x1, s1  }
0x8c: {  	s17 =	sshll.u32 s0, $0xA;
	s2 =	sadd.s32 s3, s2  }
0x8d: {  	s2 =	sadd.s32 s2, s17  }
0x8e: {  	[smem:$0x3FC5] =	sst s2  }
0x8f: {  	_ = 	snop  }
0x90: {  	s2 =	sld [smem:$0x3FD0];
	(tm) =	ssettm $0x1  }
0x91: {  	s18 =	sld [smem:$0x3FFB];
	_ =	sdelay $0x3  }
0x92: {  	_ =	strace s18  }
0x93: {  	s3 =	sld [smem:$0x3FFC];
	_ =	sdelay $0x3  }
0x94: {  	_ =	strace s3  }
0x95: {  	s3 =	sld [smem:$0x3FFD];
	_ =	sdelay $0x3  }
0x96: {  	_ =	strace s3  }
0x97: {  	_ =	strace $0x8FFFFFFF  }
0x98: {  	s19 =	sld [smem:$0x3FDB];
	_ =	sdelay $0x1  }
0x99: {  	s4 =	simm.s32 $_scs_section_size  }
0x9a: {  	s5 =	simm.s32 $_size__tile_overlayer_lowered;
	s6 =	simm.s32 $_tile_overlayer_lowered  }
0x9b: {  	s22 =	simm.s32 $0x1BFF;
	s21 =	sshll.u32 s6, $0x1;
	s3 =	sadd.s32 s4, s19  }
0x9c: {  	s7 =	simm.s32 $0x0;
	s20 =	sshll.u32 s5, $0x1;
	s5 =	sadd.s32 s21, s3  }
0x9d: {  	[timem:s7], [sflag:s22] =	dma.local [hbm:s5], s20  }
0x9e: {  	_ =	swait.ge [sflag:s22], s20  }
0x9f: {  	s4 =	ssub.s32 $0x0, s20;
	[sflag:s22] =	ssyncset.done $0x0  }
0xa0: {  	[sflag:s22] =	ssyncadd.s32 s4;
	_ =	sdelay $0x1  }
0xa1: {  	s23 =	simm.s32 $0x1B8B  }
0xa2: {  	_ =	swait.ge [sflag:s23], $0x1  }
0xa3: {  	[sflag:s23] =	ssyncset.done $0x0  }
0xa4: {  	s25 =	simm.s32 $0x1B8E;
	s24 =	sld [smem:$0x3FFE];
	[sflag:s23] =	ssyncadd.s32 $0xFFFFFFFF  }
0xa5: {  	s26 =	simm.s32 $execute0_lowered;
	[smem:$0x3FD2] =	sst s25  }
0xa6: {  	s5 =	sshll.u32 s26, $0x1;
	_ =	strace $0x80000046;
	[dreg:$0x1] =	wrdreg $0xFFFFFFFF  }
0xa7: {  	s28 =	simm.s32 $_size_execute0_lowered;
	s3 =	sadd.s32 s3, s5;
	[dreg:$0x0] =	wrdreg $0x0  }
0xa8: {  	s5 =	sshll.u32 s28, $0x1;
	[dreg:$0x2] =	wrdreg s3  }
0xa9: {  	[dreg:$0x3] =	wrdreg s5  }
0xaa: {  	[dreg:$0x4] =	wrdreg $0xC0  }
0xab: {  	_ =	task [dreg:s7], $0x5FFFF  }
0xac: {  	[dreg:$0x1] =	wrdreg $0xFFFFFFFF  }
0xad: {  	[dreg:$0x0] =	wrdreg $0x60  }
0xae: {  	[dreg:$0x2] =	wrdreg s24  }
0xaf: {  	[dreg:$0x3] =	wrdreg s2  }
0xb0: {  	[dreg:$0x4] =	wrdreg $0x9  }
0xb1: {  	_ =	task.clear_ibuf [dreg:s7], $0x5FFFF;
	_ =	strace $0x90000046  }
0xb2: {  	s29 =	simm.s32 $0x9;
	_ =	strace $0x80000048  }
0xb3: {  	_ =	swait.ge [sflag:s29], $0x1  }
0xb4: {  	[sflag:s29] =	ssyncadd.s32 $0xFFFFFFFF  }
0xb5: {  	_ =	strace $0x90000048  }
0xb6: {  	_ =	sfence  }
0xb7: {  	s30 =	sld [smem:$0x0];
	_ =	sdelay $0x2  }
0xb8: {  	s31 =	sshll.u32 s1, $0xD;
	s1 =	sshrl.u32 s1, $0x2  }
0xb9: {  	s3 =	sand.u32 $0x4000, s31;
	s1 =	sadd.s32 s1, s30  }
0xba: {  	s0 =	sor.u32 s3, s0;
	s1 =	sshll.u32 s1, $0x11  }
0xbb: {  	s0 =	sor.u32 s1, s0  }
0xbc: {  	s0 =	sadd.s32 $0x8F2B, s0  }
0xbd: {  	[sflag:s0] =	ssyncadd.remote.s32 $0x1  }
0xbe: {  	_ =	sfence.sel $0xFFFF  }
0xbf: {  	[dreg:$0x0] =	wrdreg $0xFFFFFFFF;
	(pc) =	sbr.abs _section_cstart, $3  }
0xc0: {  	[dreg:$0x1] =	wrdreg $0xFFFFFFFF  }
0xc1: {  	_ =	task.clear_ibuf [dreg:s7], $0x2FFFF;
	_ =	strace $0x9FFFFFFF  }
0xc2: {  	(tm) =	ssettm $0x7FFFFFFF  }
0xc3: {  	_ =	shalt  }
tec
execute0_lowered:
.L_overlay_start_1:
0x0: {  	(tag) =	ssettag $0x1  }
0x1: {  	s0 =	rddreg [dreg:$0x0];
	s8 =	simm.s32 $0x0  }
0x2: {  	s2 =	srdreg.scid;
	s1 =	stileid.u32;
	s9 =	simm.s32 $0x2  }
0x3: {  	s10 =	simm.s32 $0x200;
	s11 =	simm.s32 $0x400;
	s12 =	simm.s32 $0x600  }
0x4: {  	s13 =	simm.s32 $0x800;
	s14 =	simm.s32 $0xA00;
	s15 =	simm.s32 $0xC00  }
0x5: {  	s16 =	simm.s32 $0xE00;
	s17 =	simm.s32 $0x24000;
	s18 =	simm.s32 $0x1000  }
0x6: {  	s19 =	simm.s32 $0x2000;
	s20 =	simm.s32 $0x4000;
	s21 =	simm.s32 $0x6000  }
0x7: {  	s22 =	simm.s32 $0x8000;
	s23 =	simm.s32 $0xA000;
	s24 =	simm.s32 $0xC000  }
0x8: {  	s25 =	simm.s32 $0xE000;
	s26 =	simm.s32 $0x10000;
	s2 =	sand.u32 $0x1, s2  }
0x9: {  	s28 =	simm.s32 $0x1;
	s29 =	simm.s32 $0x12000;
	s3 =	ssub.s32 $0x2, s2  }
0xa: {  	[smem:$0x7FF] =	sst s8;
	s4 =	sadd.s32 $0x188200, s0;
	s7 =	sshrl.u32 s3, $0x1  }
0xb: {  	s6 =	sshll.u32 s1, $0x1;
	s5 =	sadd.s32 $0x1800, s0;
	s31 =	ssub.s32 s3, s7  }
0xc: {  	v0 =	vlaneseq.u32;
	s2 =	sor.u32 s2, s6;
	s6 =	sadd.s32 $0x1B9000, s0;
	s0 =	smax.u32 s31, $0x1  }
0xd: {  	v0 =	vmul.u32 $0x10, v0;
	_ =	strace $0x80000047;
	s7 =	smul.u32 $0x1200, s2;
	[dreg:$0x4] =	wrdreg s0  }
.LBB2_1:
0xe: {  	[dreg:$0x3] =	wrdreg s8;
	s30 =	simm.s32 $0x0  }
.LBB2_2:
0xf: {  	s0 =	smul.u32 $0x39, s30;
	_ =	sdelay $0x1  }
0x10: {  	s0 =	sshrl.u32 s0, $0x9  }
0x11: {  	s31 =	sand.u32 $0x7F, s0  }
0x12: {  	s0 =	smul.u32 $0x9, s31;
	_ =	sdelay $0x1  }
0x13: {  	s0 =	ssub.s32 s30, s0  }
0x14: {  	s0 =	sand.u32 $0xFF, s0  }
0x15: {  	s2 =	smul.u32 $0x120000, s31;
	s0 =	sshll.u32 s0, $0x9  }
0x16: {  	s0 =	sadd.s32 s7, s0  }
0x17: {  	s2 =	sadd.s32 s2, s0  }
0x18: {  	s1 =	rddreg [dreg:$0x1];
	s3 =	sshrl.u32 s2, $0x3  }
0x19: {  	s2 =	simm.s32 $0x0;
	s8 =	sadd.s32 s1, s3  }
0x1a: {  	[tilespmem:s2], [sflag:$0x2] =	stream.linear.gather [hbm4b:s8+s2], $0x200, $0x38;
	[tilespmem:$0x14000] =	vst v63  }
0x1b: {  	_ =	swait.ge [sflag:s9], $0x200  }
0x1c: {  	[sflag:s9] =	ssyncset.done $0x0  }
0x1d: {  	s1 =	sadd.s32 $0x4800, s8;
	[sflag:s9] =	ssyncadd.s32 $0xFFFFFE00  }
0x1e: {  	[tilespmem:s10], [sflag:$0x2] =	stream.linear.gather [hbm4b:s1+s2], $0x200, $0x38;
	[tilespmem:$0x14000] =	vst v63  }
0x1f: {  	_ =	swait.ge [sflag:s9], $0x200  }
0x20: {  	[sflag:s9] =	ssyncset.done $0x0  }
0x21: {  	s1 =	sadd.s32 $0x9000, s8;
	[sflag:s9] =	ssyncadd.s32 $0xFFFFFE00  }
0x22: {  	[tilespmem:s11], [sflag:$0x2] =	stream.linear.gather [hbm4b:s1+s2], $0x200, $0x38;
	[tilespmem:$0x14000] =	vst v63  }
0x23: {  	_ =	swait.ge [sflag:s9], $0x200  }
0x24: {  	[sflag:s9] =	ssyncset.done $0x0  }
0x25: {  	s1 =	sadd.s32 $0xD800, s8;
	[sflag:s9] =	ssyncadd.s32 $0xFFFFFE00  }
0x26: {  	[tilespmem:s12], [sflag:$0x2] =	stream.linear.gather [hbm4b:s1+s2], $0x200, $0x38;
	[tilespmem:$0x14000] =	vst v63  }
0x27: {  	_ =	swait.ge [sflag:s9], $0x200  }
0x28: {  	[sflag:s9] =	ssyncset.done $0x0  }
0x29: {  	s1 =	sadd.s32 $0x12000, s8;
	[sflag:s9] =	ssyncadd.s32 $0xFFFFFE00  }
0x2a: {  	[tilespmem:s13], [sflag:$0x2] =	stream.linear.gather [hbm4b:s1+s2], $0x200, $0x38;
	[tilespmem:$0x14000] =	vst v63  }
0x2b: {  	_ =	swait.ge [sflag:s9], $0x200  }
0x2c: {  	[sflag:s9] =	ssyncset.done $0x0  }
0x2d: {  	s1 =	sadd.s32 $0x16800, s8;
	[sflag:s9] =	ssyncadd.s32 $0xFFFFFE00  }
0x2e: {  	[tilespmem:s14], [sflag:$0x2] =	stream.linear.gather [hbm4b:s1+s2], $0x200, $0x38;
	[tilespmem:$0x14000] =	vst v63  }
0x2f: {  	_ =	swait.ge [sflag:s9], $0x200  }
0x30: {  	[sflag:s9] =	ssyncset.done $0x0  }
0x31: {  	s1 =	sadd.s32 $0x1B000, s8;
	[sflag:s9] =	ssyncadd.s32 $0xFFFFFE00  }
0x32: {  	[tilespmem:s15], [sflag:$0x2] =	stream.linear.gather [hbm4b:s1+s2], $0x200, $0x38;
	[tilespmem:$0x14000] =	vst v63  }
0x33: {  	_ =	swait.ge [sflag:s9], $0x200  }
0x34: {  	[sflag:s9] =	ssyncset.done $0x0  }
0x35: {  	s8 =	sadd.s32 $0x1F800, s8;
	[sflag:s9] =	ssyncadd.s32 $0xFFFFFE00  }
0x36: {  	[tilespmem:s16], [sflag:$0x2] =	stream.linear.gather [hbm4b:s8+s2], $0x200, $0x38;
	[tilespmem:$0x14000] =	vst v63  }
0x37: {  	_ =	swait.ge [sflag:s9], $0x200  }
0x38: {  	[sflag:s9] =	ssyncset.done $0x0  }
0x39: {  	s8 =	sadd.s32 s5, s3;
	[sflag:s9] =	ssyncadd.s32 $0xFFFFFE00  }
0x3a: {  	[tilespmem:s18], [sflag:$0x2] =	stream.strided.gather [hbm4b:s8+s10], $0x1000, s17, s10, $0x38;
	[tilespmem:$0x14000] =	vst v63  }
0x3b: {  	_ =	swait.ge [sflag:s9], $0x1000  }
0x3c: {  	[sflag:s9] =	ssyncset.done $0x0  }
0x3d: {  	[sflag:s9] =	ssyncadd.s32 $0xFFFFF000  }
0x3e: {  	[tilespmem:s19], [sflag:$0x1] =	stream.indirect.gather [hbm4b:s4+s10], $0x10, s2, s10, $0xb8;
	[tilespmem:$0x14000] =	vst v63  }
0x3f: {  	_ = 	snop  }
0x40: {  	[tilespmem:s20], [sflag:$0x1] =	stream.indirect.gather [hbm4b:s4+s10], $0x10, s10, s10, $0xb8;
	[tilespmem:$0x14000] =	vst v63  }
0x41: {  	_ = 	snop  }
0x42: {  	[tilespmem:s21], [sflag:$0x1] =	stream.indirect.gather [hbm4b:s4+s10], $0x10, s11, s10, $0xb8;
	[tilespmem:$0x14000] =	vst v63  }
0x43: {  	_ = 	snop  }
0x44: {  	[tilespmem:s22], [sflag:$0x1] =	stream.indirect.gather [hbm4b:s4+s10], $0x10, s12, s10, $0xb8;
	[tilespmem:$0x14000] =	vst v63  }
0x45: {  	_ = 	snop  }
0x46: {  	[tilespmem:s23], [sflag:$0x1] =	stream.indirect.gather [hbm4b:s4+s10], $0x10, s13, s10, $0xb8;
	[tilespmem:$0x14000] =	vst v63  }
0x47: {  	_ = 	snop  }
0x48: {  	[tilespmem:s24], [sflag:$0x1] =	stream.indirect.gather [hbm4b:s4+s10], $0x10, s14, s10, $0xb8;
	[tilespmem:$0x14000] =	vst v63  }
0x49: {  	_ = 	snop  }
0x4a: {  	[tilespmem:s25], [sflag:$0x1] =	stream.indirect.gather [hbm4b:s4+s10], $0x10, s15, s10, $0xb8;
	[tilespmem:$0x14000] =	vst v63  }
0x4b: {  	_ = 	snop  }
0x4c: {  	[tilespmem:s26], [sflag:$0x1] =	stream.indirect.gather [hbm4b:s4+s10], $0x10, s16, s10, $0xb8;
	[tilespmem:$0x14000] =	vst v63  }
0x4d: {  	_ =	swait.ge [sflag:s28], $0x2000  }
0x4e: {  	[sflag:s28] =	ssyncset.done $0x0  }
0x4f: {  	[sflag:s28] =	ssyncadd.s32 $0xFFFFE000  }
0x50: {  	_ =	swait.ge [sflag:s28], $0x2000  }
0x51: {  	[sflag:s28] =	ssyncset.done $0x0  }
0x52: {  	[sflag:s28] =	ssyncadd.s32 $0xFFFFE000  }
0x53: {  	_ =	swait.ge [sflag:s28], $0x2000  }
0x54: {  	[sflag:s28] =	ssyncset.done $0x0  }
0x55: {  	[sflag:s28] =	ssyncadd.s32 $0xFFFFE000  }
0x56: {  	_ =	swait.ge [sflag:s28], $0x2000  }
0x57: {  	[sflag:s28] =	ssyncset.done $0x0  }
0x58: {  	[sflag:s28] =	ssyncadd.s32 $0xFFFFE000  }
0x59: {  	_ =	swait.ge [sflag:s28], $0x2000  }
0x5a: {  	[sflag:s28] =	ssyncset.done $0x0  }
0x5b: {  	[sflag:s28] =	ssyncadd.s32 $0xFFFFE000  }
0x5c: {  	_ =	swait.ge [sflag:s28], $0x2000  }
0x5d: {  	[sflag:s28] =	ssyncset.done $0x0  }
0x5e: {  	[sflag:s28] =	ssyncadd.s32 $0xFFFFE000  }
0x5f: {  	_ =	swait.ge [sflag:s28], $0x2000  }
0x60: {  	[sflag:s28] =	ssyncset.done $0x0  }
0x61: {  	[sflag:s28] =	ssyncadd.s32 $0xFFFFE000  }
0x62: {  	_ =	swait.ge [sflag:s28], $0x2000  }
0x63: {  	[sflag:s28] =	ssyncset.done $0x0  }
0x64: {  	s3 =	simm.s32 $0x1800;
	s8 =	simm.s32 $0x13000;
	[sflag:s28] =	ssyncadd.s32 $0xFFFFE000  }
.LBB2_3:
0x65: {  	v1 =	vld [tilespmem:s3+$0xFFFFF800]  }
0x66: {  	v2 =	vld [tilespmem:s3+$0xFFFFFA00];
	_ =	sdelay $0x1  }
0x67: {  	v3 =	vld [tilespmem:s3+$0xFFFFFC00]  }
0x68: {  	v4 =	vld [tilespmem:s3+$0xFFFFFE00]  }
0x69: {  	v6 =	vld [tilespmem:s3+$0x0];
	v5 =	vadd.f32 $9.999999970e-07, v1  }
0x6a: {  	vm0 =	vlt.f32 v1, $0.0e+00;
	v1 =	vadd.f32 $9.999999970e-07, v2  }
0x6b: {  	vm9 =	vlt.f32 v2, $0.0e+00;
	v2 =	vld [tilespmem:s3+$0x200];
	v5 =	vsel vm0, $0xB8CF9E38, v5  }
0x6c: {  	v7 =	vld [tilespmem:s3+$0x400];
	v14 =	vadd.f32 $9.999999970e-07, v3;
	v1 =	vsel vm9, $0xB8CF9E38, v1;
	(erf) = vrcp.f32 v5  }
0x6d: {  	vm10 =	vlt.f32 v3, $0.0e+00;
	v3 =	vld [tilespmem:s3+$0x600];
	(erf) = vrcp.f32 v1;
	v1 =	vadd.f32 $9.999999970e-07, v4  }
0x6e: {  	vm11 =	vlt.f32 v4, $0.0e+00;
	v15 =	vadd.f32 $9.999999970e-07, v6;
	v5 =	vsel vm10, $0xB8CF9E38, v14  }
0x6f: {  	vm12 =	vlt.f32 v6, $0.0e+00;
	(erf) = vrcp.f32 v5;
	v1 =	vsel vm11, $0xB8CF9E38, v1  }
0x70: {  	v16 =	vadd.f32 $9.999999970e-07, v2;
	(erf) = vrcp.f32 v1;
	v1 =	vsel vm12, $0xB8CF9E38, v15  }
0x71: {  	vm13 =	vlt.f32 v2, $0.0e+00;
	(erf) = vrcp.f32 v1;
	v1 =	vadd.f32 $9.999999970e-07, v7  }
0x72: {  	vm14 =	vlt.f32 v7, $0.0e+00;
	v17 =	vadd.f32 $9.999999970e-07, v3;
	v2 =	vsel vm13, $0xB8CF9E38, v16  }
0x73: {  	vm15 =	vlt.f32 v3, $0.0e+00;
	(erf) = vrcp.f32 v2;
	v1 =	vsel vm14, $0xB8CF9E38, v1  }
0x74: {  	(erf) = vrcp.f32 v1;
	v1 =	vsel vm15, $0xB8CF9E38, v17  }
0x75: {  	(erf) = vrcp.f32 v1;
	_ =	sdelay $0x1  }
0x76: {  	v1 =	vpop (erf)  }
0x77: {  	v2 =	vpop (erf)  }
0x78: {  	v3 =	vpop (erf);
	v18 =	vmax.f32 v1, v2  }
0x79: {  	v19 =	vpop (erf);
	v4 =	vmax.f32 v18, v3  }
0x7a: {  	v20 =	vpop (erf);
	v4 =	vmax.f32 v4, v19  }
0x7b: {  	v21 =	vpop (erf);
	v4 =	vmax.f32 v4, v20  }
0x7c: {  	v8 =	vpop (erf);
	v4 =	vmax.f32 v4, v21  }
0x7d: {  	v9 =	vpop (erf);
	v4 =	vmax.f32 v4, v8  }
0x7e: {  	v4 =	vmax.f32 v4, v9  }
0x7f: {  	v1 =	vsub.f32 v1, v4  }
0x80: {  	v2 =	vsub.f32 v2, v4  }
0x81: {  	v1 =	vmul.f32 $1.442695020e+00, v1  }
0x82: {  	v3 =	vsub.f32 v3, v4;
	v2 =	vmul.f32 $1.442695020e+00, v2  }
0x83: {  	(erf) = vpow2.f32 v1  }
0x84: {  	v1 =	vmul.f32 $1.442695020e+00, v3;
	(erf) = vpow2.f32 v2;
	v2 =	vsub.f32 v19, v4;
	_ =	sdelay $0x1  }
0x85: {  	(erf) = vpow2.f32 v1;
	v1 =	vmul.f32 $1.442695020e+00, v2;
	v2 =	vsub.f32 v20, v4;
	_ =	sdelay $0x1  }
0x86: {  	(erf) = vpow2.f32 v1;
	v1 =	vmul.f32 $1.442695020e+00, v2;
	v2 =	vsub.f32 v21, v4;
	_ =	sdelay $0x1  }
0x87: {  	(erf) = vpow2.f32 v1;
	v1 =	vmul.f32 $1.442695020e+00, v2;
	v2 =	vsub.f32 v8, v4;
	_ =	sdelay $0x1  }
0x88: {  	v3 =	vpop (erf);
	(erf) = vpow2.f32 v1;
	v1 =	vmul.f32 $1.442695020e+00, v2;
	v2 =	vsub.f32 v9, v4  }
0x89: {  	v22 =	vpop (erf)  }
0x8a: {  	(erf) = vpow2.f32 v1;
	v1 =	vmul.f32 $1.442695020e+00, v2;
	v2 =	vadd.f32 v22, v3  }
0x8b: {  	v23 =	vpop (erf)  }
0x8c: {  	(erf) = vpow2.f32 v1;
	v1 =	vadd.f32 v2, v23  }
0x8d: {  	v24 =	vpop (erf)  }
0x8e: {  	v1 =	vadd.f32 v1, v24  }
0x8f: {  	v25 =	vpop (erf)  }
0x90: {  	v1 =	vadd.f32 v1, v25  }
0x91: {  	v26 =	vpop (erf)  }
0x92: {  	v1 =	vadd.f32 v1, v26  }
0x93: {  	v10 =	vpop (erf)  }
0x94: {  	v1 =	vadd.f32 v1, v10  }
0x95: {  	v11 =	vpop (erf)  }
0x96: {  	v1 =	vadd.f32 v1, v11  }
0x97: {  	v2 =	vmov s2  }
0x98: {  	(erf) = vrcp.f32 v1;
	v1 =	vshll.u32 v2, $0x4  }
0x99: {  	v1 =	vor.u32 v0, v1  }
0x9a: {  	v2 =	vor.u32 $0x2000, v1;
	_ =	sdelay $0x1  }
0x9b: {  	v27 =	vor.u32 $0x4000, v1;
	_ =	sdelay $0x1  }
0x9c: {  	v13 =	vor.u32 $0x6000, v1;
	v12 =	vld.idx.msk [tilespmem:v1+s19+$0x0], $0xffff  }
0x9d: {  	v14 =	vld.idx.msk [tilespmem:v2+s19+$0x0], $0xffff  }
0x9e: {  	v15 =	vor.u32 $0x8000, v1  }
0x9f: {  	v17 =	vld.idx.msk [tilespmem:v27+s19+$0x0], $0xffff;
	v16 =	vpop (erf)  }
0xa0: {  	v18 =	vor.u32 $0xA000, v1;
	v4 =	vmul.f32 v16, v3;
	v5 =	vmul.f32 v16, v22  }
0xa1: {  	v13 =	vld.idx.msk [tilespmem:v13+s19+$0x0], $0xffff;
	v2 =	vmul.f32 v16, v23  }
0xa2: {  	v30 =	vor.u32 $0xC000, v1;
	v28 =	vmul.f32 v4, v12;
	v29 =	vmul.f32 v5, v14  }
0xa3: {  	v32 =	vor.u32 $0xE000, v1;
	v15 =	vld.idx.msk [tilespmem:v15+s19+$0x0], $0xffff  }
0xa4: {  	v3 =	vmul.f32 v16, v24;
	v31 =	vmul.f32 v2, v17;
	v6 =	vadd.f32 v29, v28  }
0xa5: {  	v33 =	vld.idx.msk [tilespmem:v18+s19+$0x0], $0xffff  }
0xa6: {  	v35 =	vmul.f32 v3, v13;
	v34 =	vadd.f32 v6, v31;
	v6 =	vmul.f32 v16, v25  }
0xa7: {  	v36 =	vld.idx.msk [tilespmem:v30+s19+$0x0], $0xffff  }
0xa8: {  	v7 =	vmul.f32 v16, v26;
	v37 =	vadd.f32 v34, v35;
	v38 =	vmul.f32 v6, v15  }
0xa9: {  	v12 =	vld.idx.msk [tilespmem:v32+s19+$0x0], $0xffff  }
0xaa: {  	v8 =	vmul.f32 v16, v10;
	v40 =	vmul.f32 v7, v33;
	v39 =	vadd.f32 v37, v38;
	_ =	sdelay $0x1  }
0xab: {  	v9 =	vmul.f32 v16, v11;
	v41 =	vmul.f32 v8, v36;
	v10 =	vadd.f32 v39, v40;
	_ =	sdelay $0x1  }
0xac: {  	v43 =	vor.u32 $0x1, v1;
	v42 =	vmul.f32 v9, v12;
	v10 =	vadd.f32 v10, v41  }
0xad: {  	v44 =	vor.u32 $0x2001, v1  }
0xae: {  	v10 =	vadd.f32 v10, v42  }
0xaf: {  	v45 =	vor.u32 $0x4001, v1  }
0xb0: {  	[tilespmem:s8+$0xFFFFF000] =	vst v10  }
0xb1: {  	v46 =	vor.u32 $0x6001, v1;
	v10 =	vld.idx.msk [tilespmem:v43+s19+$0x0], $0xffff  }
0xb2: {  	v13 =	vld.idx.msk [tilespmem:v44+s19+$0x0], $0xffff  }
0xb3: {  	v47 =	vor.u32 $0x8001, v1  }
0xb4: {  	v11 =	vld.idx.msk [tilespmem:v45+s19+$0x0], $0xffff  }
0xb5: {  	v48 =	vor.u32 $0xA001, v1  }
0xb6: {  	v12 =	vld.idx.msk [tilespmem:v46+s19+$0x0], $0xffff  }
0xb7: {  	v49 =	vor.u32 $0xC001, v1;
	v10 =	vmul.f32 v4, v10;
	v13 =	vmul.f32 v5, v13  }
0xb8: {  	v14 =	vld.idx.msk [tilespmem:v47+s19+$0x0], $0xffff  }
0xb9: {  	v50 =	vor.u32 $0xE001, v1;
	v11 =	vmul.f32 v2, v11;
	v10 =	vadd.f32 v13, v10  }
0xba: {  	v15 =	vld.idx.msk [tilespmem:v48+s19+$0x0], $0xffff  }
0xbb: {  	v51 =	vmul.f32 v3, v12;
	v10 =	vadd.f32 v10, v11  }
0xbc: {  	v52 =	vld.idx.msk [tilespmem:v49+s19+$0x0], $0xffff  }
0xbd: {  	v53 =	vmul.f32 v6, v14;
	v10 =	vadd.f32 v10, v51  }
0xbe: {  	v13 =	vld.idx.msk [tilespmem:v50+s19+$0x0], $0xffff  }
0xbf: {  	v54 =	vmul.f32 v7, v15;
	v10 =	vadd.f32 v10, v53;
	_ =	sdelay $0x1  }
0xc0: {  	v55 =	vmul.f32 v52, v8;
	v10 =	vadd.f32 v10, v54;
	_ =	sdelay $0x1  }
0xc1: {  	v57 =	vor.u32 $0x2, v1;
	v56 =	vmul.f32 v13, v9;
	v10 =	vadd.f32 v10, v55  }
0xc2: {  	v58 =	vor.u32 $0x2002, v1  }
0xc3: {  	v10 =	vadd.f32 v10, v56  }
0xc4: {  	v59 =	vor.u32 $0x4002, v1  }
0xc5: {  	[tilespmem:s8+$0xFFFFF200] =	vst v10  }
0xc6: {  	v60 =	vor.u32 $0x6002, v1;
	v10 =	vld.idx.msk [tilespmem:v57+s19+$0x0], $0xffff  }
0xc7: {  	v13 =	vld.idx.msk [tilespmem:v58+s19+$0x0], $0xffff  }
0xc8: {  	v61 =	vor.u32 $0x8002, v1  }
0xc9: {  	v11 =	vld.idx.msk [tilespmem:v59+s19+$0x0], $0xffff  }
0xca: {  	v62 =	vor.u32 $0xA002, v1  }
0xcb: {  	v12 =	vld.idx.msk [tilespmem:v60+s19+$0x0], $0xffff  }
0xcc: {  	v63 =	vor.u32 $0xC002, v1;
	v10 =	vmul.f32 v10, v4;
	v13 =	vmul.f32 v13, v5  }
0xcd: {  	v14 =	vld.idx.msk [tilespmem:v61+s19+$0x0], $0xffff  }
0xce: {  	v18 =	vor.u32 $0xE002, v1;
	v11 =	vmul.f32 v11, v2;
	v10 =	vadd.f32 v13, v10  }
0xcf: {  	v15 =	vld.idx.msk [tilespmem:v62+s19+$0x0], $0xffff  }
0xd0: {  	v19 =	vmul.f32 v12, v3;
	v10 =	vadd.f32 v11, v10  }
0xd1: {  	v20 =	vld.idx.msk [tilespmem:v63+s19+$0x0], $0xffff  }
0xd2: {  	v21 =	vmul.f32 v14, v6;
	v10 =	vadd.f32 v19, v10  }
0xd3: {  	v13 =	vld.idx.msk [tilespmem:v18+s19+$0x0], $0xffff  }
0xd4: {  	v22 =	vmul.f32 v15, v7;
	v10 =	vadd.f32 v21, v10;
	_ =	sdelay $0x1  }
0xd5: {  	v23 =	vmul.f32 v20, v8;
	v10 =	vadd.f32 v22, v10;
	_ =	sdelay $0x1  }
0xd6: {  	v25 =	vor.u32 $0x3, v1;
	v24 =	vmul.f32 v13, v9;
	v10 =	vadd.f32 v23, v10  }
0xd7: {  	v26 =	vor.u32 $0x2003, v1  }
0xd8: {  	v10 =	vadd.f32 v24, v10  }
0xd9: {  	v27 =	vor.u32 $0x4003, v1  }
0xda: {  	[tilespmem:s8+$0xFFFFF400] =	vst v10  }
0xdb: {  	v28 =	vor.u32 $0x6003, v1;
	v10 =	vld.idx.msk [tilespmem:v25+s19+$0x0], $0xffff  }
0xdc: {  	v13 =	vld.idx.msk [tilespmem:v26+s19+$0x0], $0xffff  }
0xdd: {  	v29 =	vor.u32 $0x8003, v1  }
0xde: {  	v11 =	vld.idx.msk [tilespmem:v27+s19+$0x0], $0xffff  }
0xdf: {  	v30 =	vor.u32 $0xA003, v1  }
0xe0: {  	v12 =	vld.idx.msk [tilespmem:v28+s19+$0x0], $0xffff  }
0xe1: {  	v31 =	vor.u32 $0xC003, v1;
	v10 =	vmul.f32 v10, v4;
	v13 =	vmul.f32 v13, v5  }
0xe2: {  	v14 =	vld.idx.msk [tilespmem:v29+s19+$0x0], $0xffff  }
0xe3: {  	v32 =	vor.u32 $0xE003, v1;
	v11 =	vmul.f32 v11, v2;
	v10 =	vadd.f32 v13, v10  }
0xe4: {  	v15 =	vld.idx.msk [tilespmem:v30+s19+$0x0], $0xffff  }
0xe5: {  	v33 =	vmul.f32 v12, v3;
	v10 =	vadd.f32 v11, v10  }
0xe6: {  	v34 =	vld.idx.msk [tilespmem:v31+s19+$0x0], $0xffff  }
0xe7: {  	v35 =	vmul.f32 v14, v6;
	v10 =	vadd.f32 v33, v10  }
0xe8: {  	v13 =	vld.idx.msk [tilespmem:v32+s19+$0x0], $0xffff  }
0xe9: {  	v36 =	vmul.f32 v15, v7;
	v10 =	vadd.f32 v35, v10;
	_ =	sdelay $0x1  }
0xea: {  	v37 =	vmul.f32 v34, v8;
	v10 =	vadd.f32 v36, v10;
	_ =	sdelay $0x1  }
0xeb: {  	v39 =	vor.u32 $0x4, v1;
	v38 =	vmul.f32 v13, v9;
	v10 =	vadd.f32 v37, v10  }
0xec: {  	v40 =	vor.u32 $0x2004, v1  }
0xed: {  	v10 =	vadd.f32 v38, v10  }
0xee: {  	v41 =	vor.u32 $0x4004, v1  }
0xef: {  	[tilespmem:s8+$0xFFFFF600] =	vst v10  }
0xf0: {  	v42 =	vor.u32 $0x6004, v1;
	v10 =	vld.idx.msk [tilespmem:v39+s19+$0x0], $0xffff  }
0xf1: {  	v13 =	vld.idx.msk [tilespmem:v40+s19+$0x0], $0xffff  }
0xf2: {  	v43 =	vor.u32 $0x8004, v1  }
0xf3: {  	v11 =	vld.idx.msk [tilespmem:v41+s19+$0x0], $0xffff  }
0xf4: {  	v44 =	vor.u32 $0xA004, v1  }
0xf5: {  	v12 =	vld.idx.msk [tilespmem:v42+s19+$0x0], $0xffff  }
0xf6: {  	v45 =	vor.u32 $0xC004, v1;
	v10 =	vmul.f32 v10, v4;
	v13 =	vmul.f32 v13, v5  }
0xf7: {  	v14 =	vld.idx.msk [tilespmem:v43+s19+$0x0], $0xffff  }
0xf8: {  	v46 =	vor.u32 $0xE004, v1;
	v11 =	vmul.f32 v11, v2;
	v10 =	vadd.f32 v13, v10  }
0xf9: {  	v15 =	vld.idx.msk [tilespmem:v44+s19+$0x0], $0xffff  }
0xfa: {  	v47 =	vmul.f32 v12, v3;
	v10 =	vadd.f32 v11, v10  }
0xfb: {  	v48 =	vld.idx.msk [tilespmem:v45+s19+$0x0], $0xffff  }
0xfc: {  	v49 =	vmul.f32 v14, v6;
	v10 =	vadd.f32 v47, v10  }
0xfd: {  	v13 =	vld.idx.msk [tilespmem:v46+s19+$0x0], $0xffff  }
0xfe: {  	v50 =	vmul.f32 v15, v7;
	v10 =	vadd.f32 v49, v10;
	_ =	sdelay $0x1  }
0xff: {  	v51 =	vmul.f32 v48, v8;
	v10 =	vadd.f32 v50, v10;
	_ =	sdelay $0x1  }
0x100: {  	v53 =	vor.u32 $0x5, v1;
	v52 =	vmul.f32 v13, v9;
	v10 =	vadd.f32 v51, v10  }
0x101: {  	v54 =	vor.u32 $0x2005, v1  }
0x102: {  	v10 =	vadd.f32 v52, v10  }
0x103: {  	v55 =	vor.u32 $0x4005, v1  }
0x104: {  	[tilespmem:s8+$0xFFFFF800] =	vst v10  }
0x105: {  	v56 =	vor.u32 $0x6005, v1;
	v10 =	vld.idx.msk [tilespmem:v53+s19+$0x0], $0xffff  }
0x106: {  	v13 =	vld.idx.msk [tilespmem:v54+s19+$0x0], $0xffff  }
0x107: {  	v57 =	vor.u32 $0x8005, v1  }
0x108: {  	v11 =	vld.idx.msk [tilespmem:v55+s19+$0x0], $0xffff  }
0x109: {  	v58 =	vor.u32 $0xA005, v1  }
0x10a: {  	v12 =	vld.idx.msk [tilespmem:v56+s19+$0x0], $0xffff  }
0x10b: {  	v59 =	vor.u32 $0xC005, v1;
	v10 =	vmul.f32 v10, v4;
	v13 =	vmul.f32 v13, v5  }
0x10c: {  	v14 =	vld.idx.msk [tilespmem:v57+s19+$0x0], $0xffff  }
0x10d: {  	v60 =	vor.u32 $0xE005, v1;
	v11 =	vmul.f32 v11, v2;
	v10 =	vadd.f32 v13, v10  }
0x10e: {  	v15 =	vld.idx.msk [tilespmem:v58+s19+$0x0], $0xffff  }
0x10f: {  	v61 =	vmul.f32 v12, v3;
	v10 =	vadd.f32 v11, v10  }
0x110: {  	v62 =	vld.idx.msk [tilespmem:v59+s19+$0x0], $0xffff  }
0x111: {  	v63 =	vmul.f32 v14, v6;
	v10 =	vadd.f32 v61, v10  }
0x112: {  	v13 =	vld.idx.msk [tilespmem:v60+s19+$0x0], $0xffff  }
0x113: {  	v14 =	vmul.f32 v15, v7;
	v10 =	vadd.f32 v63, v10;
	_ =	sdelay $0x1  }
0x114: {  	v15 =	vmul.f32 v62, v8;
	v10 =	vadd.f32 v14, v10;
	_ =	sdelay $0x1  }
0x115: {  	v17 =	vor.u32 $0x6, v1;
	v16 =	vmul.f32 v13, v9;
	v10 =	vadd.f32 v15, v10  }
0x116: {  	v18 =	vor.u32 $0x2006, v1  }
0x117: {  	v10 =	vadd.f32 v16, v10  }
0x118: {  	v19 =	vor.u32 $0x4006, v1  }
0x119: {  	[tilespmem:s8+$0xFFFFFA00] =	vst v10  }
0x11a: {  	v20 =	vor.u32 $0x6006, v1;
	v10 =	vld.idx.msk [tilespmem:v17+s19+$0x0], $0xffff  }
0x11b: {  	v13 =	vld.idx.msk [tilespmem:v18+s19+$0x0], $0xffff  }
0x11c: {  	v21 =	vor.u32 $0x8006, v1  }
0x11d: {  	v11 =	vld.idx.msk [tilespmem:v19+s19+$0x0], $0xffff  }
0x11e: {  	v22 =	vor.u32 $0xA006, v1  }
0x11f: {  	v12 =	vld.idx.msk [tilespmem:v20+s19+$0x0], $0xffff  }
0x120: {  	v23 =	vor.u32 $0xC006, v1;
	v10 =	vmul.f32 v10, v4;
	v13 =	vmul.f32 v13, v5  }
0x121: {  	v14 =	vld.idx.msk [tilespmem:v21+s19+$0x0], $0xffff  }
0x122: {  	v24 =	vor.u32 $0xE006, v1;
	v11 =	vmul.f32 v11, v2;
	v10 =	vadd.f32 v13, v10  }
0x123: {  	v15 =	vld.idx.msk [tilespmem:v22+s19+$0x0], $0xffff  }
0x124: {  	v25 =	vmul.f32 v12, v3;
	v10 =	vadd.f32 v11, v10  }
0x125: {  	v26 =	vld.idx.msk [tilespmem:v23+s19+$0x0], $0xffff  }
0x126: {  	v27 =	vmul.f32 v14, v6;
	v10 =	vadd.f32 v25, v10  }
0x127: {  	v13 =	vld.idx.msk [tilespmem:v24+s19+$0x0], $0xffff  }
0x128: {  	v28 =	vmul.f32 v15, v7;
	v10 =	vadd.f32 v27, v10;
	_ =	sdelay $0x1  }
0x129: {  	v29 =	vmul.f32 v26, v8;
	v10 =	vadd.f32 v28, v10;
	_ =	sdelay $0x1  }
0x12a: {  	v31 =	vor.u32 $0x7, v1;
	v30 =	vmul.f32 v13, v9;
	v10 =	vadd.f32 v29, v10  }
0x12b: {  	v32 =	vor.u32 $0x2007, v1  }
0x12c: {  	v10 =	vadd.f32 v30, v10  }
0x12d: {  	v33 =	vor.u32 $0x4007, v1  }
0x12e: {  	[tilespmem:s8+$0xFFFFFC00] =	vst v10  }
0x12f: {  	v34 =	vor.u32 $0x6007, v1;
	v10 =	vld.idx.msk [tilespmem:v31+s19+$0x0], $0xffff  }
0x130: {  	v13 =	vld.idx.msk [tilespmem:v32+s19+$0x0], $0xffff  }
0x131: {  	v35 =	vor.u32 $0x8007, v1  }
0x132: {  	v11 =	vld.idx.msk [tilespmem:v33+s19+$0x0], $0xffff  }
0x133: {  	v36 =	vor.u32 $0xA007, v1  }
0x134: {  	v12 =	vld.idx.msk [tilespmem:v34+s19+$0x0], $0xffff  }
0x135: {  	v37 =	vor.u32 $0xC007, v1;
	v10 =	vmul.f32 v10, v4;
	v13 =	vmul.f32 v13, v5  }
0x136: {  	v14 =	vld.idx.msk [tilespmem:v35+s19+$0x0], $0xffff  }
0x137: {  	v38 =	vor.u32 $0xE007, v1;
	v11 =	vmul.f32 v11, v2;
	v10 =	vadd.f32 v13, v10  }
0x138: {  	v15 =	vld.idx.msk [tilespmem:v36+s19+$0x0], $0xffff  }
0x139: {  	v39 =	vmul.f32 v12, v3;
	v10 =	vadd.f32 v11, v10  }
0x13a: {  	v40 =	vld.idx.msk [tilespmem:v37+s19+$0x0], $0xffff  }
0x13b: {  	v41 =	vmul.f32 v14, v6;
	v10 =	vadd.f32 v39, v10  }
0x13c: {  	v13 =	vld.idx.msk [tilespmem:v38+s19+$0x0], $0xffff  }
0x13d: {  	v42 =	vmul.f32 v15, v7;
	v10 =	vadd.f32 v41, v10;
	_ =	sdelay $0x1  }
0x13e: {  	v43 =	vmul.f32 v40, v8;
	v10 =	vadd.f32 v42, v10;
	_ =	sdelay $0x1  }
0x13f: {  	v45 =	vor.u32 $0x8, v1;
	v44 =	vmul.f32 v13, v9;
	v10 =	vadd.f32 v43, v10  }
0x140: {  	v46 =	vor.u32 $0x2008, v1  }
0x141: {  	v10 =	vadd.f32 v44, v10  }
0x142: {  	v47 =	vor.u32 $0x4008, v1  }
0x143: {  	[tilespmem:s8+$0xFFFFFE00] =	vst v10  }
0x144: {  	v48 =	vor.u32 $0x6008, v1;
	v10 =	vld.idx.msk [tilespmem:v45+s19+$0x0], $0xffff  }
0x145: {  	v13 =	vld.idx.msk [tilespmem:v46+s19+$0x0], $0xffff  }
0x146: {  	v49 =	vor.u32 $0x8008, v1  }
0x147: {  	v11 =	vld.idx.msk [tilespmem:v47+s19+$0x0], $0xffff  }
0x148: {  	v50 =	vor.u32 $0xA008, v1  }
0x149: {  	v12 =	vld.idx.msk [tilespmem:v48+s19+$0x0], $0xffff  }
0x14a: {  	v51 =	vor.u32 $0xC008, v1;
	v10 =	vmul.f32 v10, v4;
	v13 =	vmul.f32 v13, v5  }
0x14b: {  	v14 =	vld.idx.msk [tilespmem:v49+s19+$0x0], $0xffff  }
0x14c: {  	v52 =	vor.u32 $0xE008, v1;
	v11 =	vmul.f32 v11, v2;
	v10 =	vadd.f32 v13, v10  }
0x14d: {  	v15 =	vld.idx.msk [tilespmem:v50+s19+$0x0], $0xffff  }
0x14e: {  	v53 =	vmul.f32 v12, v3;
	v10 =	vadd.f32 v11, v10  }
0x14f: {  	v54 =	vld.idx.msk [tilespmem:v51+s19+$0x0], $0xffff  }
0x150: {  	v55 =	vmul.f32 v14, v6;
	v10 =	vadd.f32 v53, v10  }
0x151: {  	v13 =	vld.idx.msk [tilespmem:v52+s19+$0x0], $0xffff  }
0x152: {  	v56 =	vmul.f32 v15, v7;
	v10 =	vadd.f32 v55, v10;
	_ =	sdelay $0x1  }
0x153: {  	v57 =	vmul.f32 v54, v8;
	v10 =	vadd.f32 v56, v10;
	_ =	sdelay $0x1  }
0x154: {  	v59 =	vor.u32 $0x9, v1;
	v58 =	vmul.f32 v13, v9;
	v10 =	vadd.f32 v57, v10  }
0x155: {  	v60 =	vor.u32 $0x2009, v1  }
0x156: {  	v10 =	vadd.f32 v58, v10  }
0x157: {  	v61 =	vor.u32 $0x4009, v1  }
0x158: {  	[tilespmem:s8+$0x0] =	vst v10  }
0x159: {  	v62 =	vor.u32 $0x6009, v1;
	v10 =	vld.idx.msk [tilespmem:v59+s19+$0x0], $0xffff  }
0x15a: {  	v13 =	vld.idx.msk [tilespmem:v60+s19+$0x0], $0xffff  }
0x15b: {  	v63 =	vor.u32 $0x8009, v1  }
0x15c: {  	v11 =	vld.idx.msk [tilespmem:v61+s19+$0x0], $0xffff  }
0x15d: {  	v20 =	vor.u32 $0xA009, v1  }
0x15e: {  	v12 =	vld.idx.msk [tilespmem:v62+s19+$0x0], $0xffff  }
0x15f: {  	v21 =	vor.u32 $0xC009, v1;
	v10 =	vmul.f32 v10, v4;
	v13 =	vmul.f32 v13, v5  }
0x160: {  	v14 =	vld.idx.msk [tilespmem:v63+s19+$0x0], $0xffff  }
0x161: {  	v22 =	vor.u32 $0xE009, v1;
	v11 =	vmul.f32 v11, v2;
	v10 =	vadd.f32 v13, v10  }
0x162: {  	v15 =	vld.idx.msk [tilespmem:v20+s19+$0x0], $0xffff  }
0x163: {  	v23 =	vmul.f32 v12, v3;
	v10 =	vadd.f32 v11, v10  }
0x164: {  	v24 =	vld.idx.msk [tilespmem:v21+s19+$0x0], $0xffff  }
0x165: {  	v25 =	vmul.f32 v14, v6;
	v10 =	vadd.f32 v23, v10  }
0x166: {  	v13 =	vld.idx.msk [tilespmem:v22+s19+$0x0], $0xffff  }
0x167: {  	v26 =	vmul.f32 v15, v7;
	v10 =	vadd.f32 v25, v10;
	_ =	sdelay $0x1  }
0x168: {  	v27 =	vmul.f32 v24, v8;
	v10 =	vadd.f32 v26, v10;
	_ =	sdelay $0x1  }
0x169: {  	v29 =	vor.u32 $0xA, v1;
	v28 =	vmul.f32 v13, v9;
	v10 =	vadd.f32 v27, v10  }
0x16a: {  	v30 =	vor.u32 $0x200A, v1  }
0x16b: {  	v10 =	vadd.f32 v28, v10  }
0x16c: {  	v31 =	vor.u32 $0x400A, v1  }
0x16d: {  	[tilespmem:s8+$0x200] =	vst v10  }
0x16e: {  	v32 =	vor.u32 $0x600A, v1;
	v10 =	vld.idx.msk [tilespmem:v29+s19+$0x0], $0xffff  }
0x16f: {  	v13 =	vld.idx.msk [tilespmem:v30+s19+$0x0], $0xffff  }
0x170: {  	v33 =	vor.u32 $0x800A, v1  }
0x171: {  	v11 =	vld.idx.msk [tilespmem:v31+s19+$0x0], $0xffff  }
0x172: {  	v34 =	vor.u32 $0xA00A, v1  }
0x173: {  	v12 =	vld.idx.msk [tilespmem:v32+s19+$0x0], $0xffff  }
0x174: {  	v35 =	vor.u32 $0xC00A, v1;
	v10 =	vmul.f32 v10, v4;
	v13 =	vmul.f32 v13, v5  }
0x175: {  	v14 =	vld.idx.msk [tilespmem:v33+s19+$0x0], $0xffff  }
0x176: {  	v36 =	vor.u32 $0xE00A, v1;
	v11 =	vmul.f32 v11, v2;
	v10 =	vadd.f32 v13, v10  }
0x177: {  	v15 =	vld.idx.msk [tilespmem:v34+s19+$0x0], $0xffff  }
0x178: {  	v37 =	vmul.f32 v12, v3;
	v10 =	vadd.f32 v11, v10  }
0x179: {  	v38 =	vld.idx.msk [tilespmem:v35+s19+$0x0], $0xffff  }
0x17a: {  	v39 =	vmul.f32 v14, v6;
	v10 =	vadd.f32 v37, v10  }
0x17b: {  	v13 =	vld.idx.msk [tilespmem:v36+s19+$0x0], $0xffff  }
0x17c: {  	v40 =	vmul.f32 v15, v7;
	v10 =	vadd.f32 v39, v10;
	_ =	sdelay $0x1  }
0x17d: {  	v41 =	vmul.f32 v38, v8;
	v10 =	vadd.f32 v40, v10;
	_ =	sdelay $0x1  }
0x17e: {  	v43 =	vor.u32 $0xB, v1;
	v42 =	vmul.f32 v13, v9;
	v10 =	vadd.f32 v41, v10  }
0x17f: {  	v44 =	vor.u32 $0x200B, v1  }
0x180: {  	v10 =	vadd.f32 v42, v10  }
0x181: {  	v45 =	vor.u32 $0x400B, v1  }
0x182: {  	[tilespmem:s8+$0x400] =	vst v10  }
0x183: {  	v46 =	vor.u32 $0x600B, v1;
	v10 =	vld.idx.msk [tilespmem:v43+s19+$0x0], $0xffff  }
0x184: {  	v13 =	vld.idx.msk [tilespmem:v44+s19+$0x0], $0xffff  }
0x185: {  	v47 =	vor.u32 $0x800B, v1  }
0x186: {  	v11 =	vld.idx.msk [tilespmem:v45+s19+$0x0], $0xffff  }
0x187: {  	v48 =	vor.u32 $0xA00B, v1  }
0x188: {  	v12 =	vld.idx.msk [tilespmem:v46+s19+$0x0], $0xffff  }
0x189: {  	v49 =	vor.u32 $0xC00B, v1;
	v10 =	vmul.f32 v10, v4;
	v13 =	vmul.f32 v13, v5  }
0x18a: {  	v14 =	vld.idx.msk [tilespmem:v47+s19+$0x0], $0xffff  }
0x18b: {  	v50 =	vor.u32 $0xE00B, v1;
	v11 =	vmul.f32 v11, v2;
	v10 =	vadd.f32 v13, v10  }
0x18c: {  	v15 =	vld.idx.msk [tilespmem:v48+s19+$0x0], $0xffff  }
0x18d: {  	v51 =	vmul.f32 v12, v3;
	v10 =	vadd.f32 v11, v10  }
0x18e: {  	v52 =	vld.idx.msk [tilespmem:v49+s19+$0x0], $0xffff  }
0x18f: {  	v53 =	vmul.f32 v14, v6;
	v10 =	vadd.f32 v51, v10  }
0x190: {  	v13 =	vld.idx.msk [tilespmem:v50+s19+$0x0], $0xffff  }
0x191: {  	v54 =	vmul.f32 v15, v7;
	v10 =	vadd.f32 v53, v10;
	_ =	sdelay $0x1  }
0x192: {  	v55 =	vmul.f32 v52, v8;
	v10 =	vadd.f32 v54, v10;
	_ =	sdelay $0x1  }
0x193: {  	v57 =	vor.u32 $0xC, v1;
	v56 =	vmul.f32 v13, v9;
	v10 =	vadd.f32 v55, v10  }
0x194: {  	v58 =	vor.u32 $0x200C, v1  }
0x195: {  	v10 =	vadd.f32 v56, v10  }
0x196: {  	v59 =	vor.u32 $0x400C, v1  }
0x197: {  	[tilespmem:s8+$0x600] =	vst v10  }
0x198: {  	v60 =	vor.u32 $0x600C, v1;
	v10 =	vld.idx.msk [tilespmem:v57+s19+$0x0], $0xffff  }
0x199: {  	v13 =	vld.idx.msk [tilespmem:v58+s19+$0x0], $0xffff  }
0x19a: {  	v61 =	vor.u32 $0x800C, v1  }
0x19b: {  	v11 =	vld.idx.msk [tilespmem:v59+s19+$0x0], $0xffff  }
0x19c: {  	v62 =	vor.u32 $0xA00C, v1  }
0x19d: {  	v12 =	vld.idx.msk [tilespmem:v60+s19+$0x0], $0xffff  }
0x19e: {  	v63 =	vor.u32 $0xC00C, v1;
	v10 =	vmul.f32 v10, v4;
	v13 =	vmul.f32 v13, v5  }
0x19f: {  	v14 =	vld.idx.msk [tilespmem:v61+s19+$0x0], $0xffff  }
0x1a0: {  	v19 =	vor.u32 $0xE00C, v1;
	v11 =	vmul.f32 v11, v2;
	v10 =	vadd.f32 v13, v10  }
0x1a1: {  	v15 =	vld.idx.msk [tilespmem:v62+s19+$0x0], $0xffff  }
0x1a2: {  	v20 =	vmul.f32 v12, v3;
	v10 =	vadd.f32 v11, v10  }
0x1a3: {  	v21 =	vld.idx.msk [tilespmem:v63+s19+$0x0], $0xffff  }
0x1a4: {  	v22 =	vmul.f32 v14, v6;
	v10 =	vadd.f32 v20, v10  }
0x1a5: {  	v13 =	vld.idx.msk [tilespmem:v19+s19+$0x0], $0xffff  }
0x1a6: {  	v23 =	vmul.f32 v15, v7;
	v10 =	vadd.f32 v22, v10;
	_ =	sdelay $0x1  }
0x1a7: {  	v24 =	vmul.f32 v21, v8;
	v10 =	vadd.f32 v23, v10;
	_ =	sdelay $0x1  }
0x1a8: {  	v26 =	vor.u32 $0xD, v1;
	v25 =	vmul.f32 v13, v9;
	v10 =	vadd.f32 v24, v10  }
0x1a9: {  	v27 =	vor.u32 $0x200D, v1  }
0x1aa: {  	v10 =	vadd.f32 v25, v10  }
0x1ab: {  	v28 =	vor.u32 $0x400D, v1  }
0x1ac: {  	[tilespmem:s8+$0x800] =	vst v10  }
0x1ad: {  	v29 =	vor.u32 $0x600D, v1;
	v10 =	vld.idx.msk [tilespmem:v26+s19+$0x0], $0xffff  }
0x1ae: {  	v13 =	vld.idx.msk [tilespmem:v27+s19+$0x0], $0xffff  }
0x1af: {  	v30 =	vor.u32 $0x800D, v1  }
0x1b0: {  	v11 =	vld.idx.msk [tilespmem:v28+s19+$0x0], $0xffff  }
0x1b1: {  	v31 =	vor.u32 $0xA00D, v1  }
0x1b2: {  	v12 =	vld.idx.msk [tilespmem:v29+s19+$0x0], $0xffff  }
0x1b3: {  	v32 =	vor.u32 $0xC00D, v1;
	v10 =	vmul.f32 v10, v4;
	v13 =	vmul.f32 v13, v5  }
0x1b4: {  	v14 =	vld.idx.msk [tilespmem:v30+s19+$0x0], $0xffff  }
0x1b5: {  	v33 =	vor.u32 $0xE00D, v1;
	v11 =	vmul.f32 v11, v2;
	v10 =	vadd.f32 v13, v10  }
0x1b6: {  	v15 =	vld.idx.msk [tilespmem:v31+s19+$0x0], $0xffff  }
0x1b7: {  	v34 =	vmul.f32 v12, v3;
	v10 =	vadd.f32 v11, v10  }
0x1b8: {  	v35 =	vld.idx.msk [tilespmem:v32+s19+$0x0], $0xffff  }
0x1b9: {  	v36 =	vmul.f32 v14, v6;
	v10 =	vadd.f32 v34, v10  }
0x1ba: {  	v13 =	vld.idx.msk [tilespmem:v33+s19+$0x0], $0xffff  }
0x1bb: {  	v37 =	vmul.f32 v15, v7;
	v10 =	vadd.f32 v36, v10;
	_ =	sdelay $0x1  }
0x1bc: {  	v38 =	vmul.f32 v35, v8;
	v10 =	vadd.f32 v37, v10;
	_ =	sdelay $0x1  }
0x1bd: {  	v40 =	vor.u32 $0xE, v1;
	v39 =	vmul.f32 v13, v9;
	v10 =	vadd.f32 v38, v10  }
0x1be: {  	v41 =	vor.u32 $0x200E, v1  }
0x1bf: {  	v10 =	vadd.f32 v39, v10  }
0x1c0: {  	v42 =	vor.u32 $0x400E, v1  }
0x1c1: {  	[tilespmem:s8+$0xA00] =	vst v10  }
0x1c2: {  	v43 =	vor.u32 $0x600E, v1;
	v10 =	vld.idx.msk [tilespmem:v40+s19+$0x0], $0xffff  }
0x1c3: {  	v13 =	vld.idx.msk [tilespmem:v41+s19+$0x0], $0xffff  }
0x1c4: {  	v44 =	vor.u32 $0x800E, v1  }
0x1c5: {  	v11 =	vld.idx.msk [tilespmem:v42+s19+$0x0], $0xffff  }
0x1c6: {  	v45 =	vor.u32 $0xA00E, v1  }
0x1c7: {  	v12 =	vld.idx.msk [tilespmem:v43+s19+$0x0], $0xffff  }
0x1c8: {  	v46 =	vor.u32 $0xC00E, v1;
	v10 =	vmul.f32 v10, v4;
	v13 =	vmul.f32 v13, v5  }
0x1c9: {  	v14 =	vld.idx.msk [tilespmem:v44+s19+$0x0], $0xffff  }
0x1ca: {  	v47 =	vor.u32 $0xE00E, v1;
	v11 =	vmul.f32 v11, v2;
	v10 =	vadd.f32 v13, v10  }
0x1cb: {  	v15 =	vld.idx.msk [tilespmem:v45+s19+$0x0], $0xffff  }
0x1cc: {  	v48 =	vmul.f32 v12, v3;
	v10 =	vadd.f32 v11, v10  }
0x1cd: {  	v49 =	vld.idx.msk [tilespmem:v46+s19+$0x0], $0xffff  }
0x1ce: {  	v50 =	vmul.f32 v14, v6;
	v10 =	vadd.f32 v48, v10  }
0x1cf: {  	v13 =	vld.idx.msk [tilespmem:v47+s19+$0x0], $0xffff  }
0x1d0: {  	v51 =	vmul.f32 v15, v7;
	v10 =	vadd.f32 v50, v10;
	_ =	sdelay $0x1  }
0x1d1: {  	v52 =	vmul.f32 v49, v8;
	v10 =	vadd.f32 v51, v10;
	_ =	sdelay $0x1  }
0x1d2: {  	v54 =	vor.u32 $0xF, v1;
	v53 =	vmul.f32 v13, v9;
	v10 =	vadd.f32 v52, v10  }
0x1d3: {  	v55 =	vor.u32 $0x200F, v1  }
0x1d4: {  	v10 =	vadd.f32 v53, v10  }
0x1d5: {  	v56 =	vor.u32 $0x400F, v1  }
0x1d6: {  	[tilespmem:s8+$0xC00] =	vst v10  }
0x1d7: {  	v57 =	vor.u32 $0x600F, v1;
	v10 =	vld.idx.msk [tilespmem:v54+s19+$0x0], $0xffff  }
0x1d8: {  	v13 =	vld.idx.msk [tilespmem:v55+s19+$0x0], $0xffff  }
0x1d9: {  	v58 =	vor.u32 $0x800F, v1  }
0x1da: {  	v11 =	vld.idx.msk [tilespmem:v56+s19+$0x0], $0xffff  }
0x1db: {  	v59 =	vor.u32 $0xA00F, v1  }
0x1dc: {  	v12 =	vld.idx.msk [tilespmem:v57+s19+$0x0], $0xffff  }
0x1dd: {  	v60 =	vor.u32 $0xC00F, v1;
	v4 =	vmul.f32 v10, v4;
	v5 =	vmul.f32 v13, v5  }
0x1de: {  	v61 =	vld.idx.msk [tilespmem:v58+s19+$0x0], $0xffff  }
0x1df: {  	v1 =	vor.u32 $0xE00F, v1;
	v2 =	vmul.f32 v11, v2;
	v4 =	vadd.f32 v5, v4  }
0x1e0: {  	v62 =	vld.idx.msk [tilespmem:v59+s19+$0x0], $0xffff  }
0x1e1: {  	v3 =	vmul.f32 v12, v3;
	v2 =	vadd.f32 v2, v4  }
0x1e2: {  	v63 =	vld.idx.msk [tilespmem:v60+s19+$0x0], $0xffff  }
0x1e3: {  	v2 =	vadd.f32 v3, v2;
	v3 =	vmul.f32 v61, v6  }
0x1e4: {  	v1 =	vld.idx.msk [tilespmem:v1+s19+$0x0], $0xffff  }
0x1e5: {  	v2 =	vadd.f32 v3, v2;
	v3 =	vmul.f32 v62, v7;
	_ =	sdelay $0x1  }
0x1e6: {  	v2 =	vadd.f32 v3, v2;
	v3 =	vmul.f32 v63, v8  }
0x1e7: {  	p0 =	sne.s32 s2, $0x1F0  }
.Ltmp0:
0x1e8: {  	v1 =	vmul.f32 v1, v9;
	v2 =	vadd.f32 v3, v2;
	(pc) =	sbr.rel @p0 .LBB2_3-.Ltmp0, $3  }
0x1e9: {  	_ = 	snop  }
0x1ea: {  	v1 =	vadd.f32 v1, v2;
	_ =	sdelay $0x1  }
0x1eb: {  	s3 =	sadd.s32 $0x10, s3;
	s2 =	sadd.s32 $0x10, s2;
	[tilespmem:s8+$0xE00] =	vst v1;
	s8 =	sadd.s32 $0x10, s8  }
0x1ec: {  	s1 =	smul.u32 $0x240000, s31;
	_ =	sdelay $0x1  }
0x1ed: {  	s30 =	sadd.s32 $0x1, s30;
	s0 =	sadd.s32 s1, s0  }
0x1ee: {  	p0 =	sne.s32 s30, $0x24;
	s0 =	sshrl.u32 s0, $0x3  }
.Ltmp1:
0x1ef: {  	s0 =	sadd.s32 s6, s0;
	(pc) =	sbr.rel @p0 .LBB2_2-.Ltmp1, $4  }
0x1f0: {  	[hbm4b:s0+s10] =	stream.strided.scatter [tilespmem:s29], [sflag:$0x2], $0x2000, s17, s10, $0x38;
	[tilespmem:$0x14000] =	vst v63  }
0x1f1: {  	_ =	swait.ge [sflag:s9], $0x2000  }
0x1f2: {  	[sflag:s9] =	ssyncset.done $0x0  }
0x1f3: {  	[sflag:s9] =	ssyncadd.s32 $0xFFFFE000  }
0x1f4: {  	s8 =	rddreg [dreg:$0x3]  }
0x1f5: {  	s0 =	rddreg [dreg:$0x4];
	s8 =	sadd.s32 $0x1, s8  }
0x1f6: {  	p0 =	sne.s32 s8, s0  }
.Ltmp2:
0x1f7: {  	_ = 	snop;
	(pc) =	sbr.rel @p0 .LBB2_1-.Ltmp2, $1  }
0x1f8: {  	_ =	sdelay $0x3  }
0x1f9: {  	_ =	sfence.sel $0x180000  }
0x1fa: {  	[bflag:$0x0] =	sbarrier.arrive $0xFFFF  }
0x1fb: {  	_ =	strace $0x90000047  }
0x1fc: {  	s0 =	stileid.u32;
	[bflag:$0x2] =	sbarrier.arrive $0xFFFF  }
0x1fd: {  	p0 =	sne.s32 s0, $0x0;
	s0 =	rddreg [dreg:$0x2]  }
0x1fe: {  	s0 =	sadd.s32 @!p0 $0x100000, s0  }
0x1ff: {  	[sflag:s0] =	ssyncadd.tile.s32 @!p0 $0x1;
	_ =	shalt  }
.Lfunc_end2:
_tile_overlayer_lowered:
.L_overlay_start_2:
0x200: {  	(tag) =	ssettag $0x2  }
0x201: {  	s0 =	rddreg [dreg:$0x0];
	s2 =	stileid.u32  }
0x202: {  	s1 =	rddreg [dreg:$0x1];
	p0 =	sne.s32 s2, $0x0  }
0x203: {  	s3 =	rddreg [dreg:$0x2];
	[bflag:$0x3] =	sbarrier.arrive $0xFFFF;
	s2 =	simm.s32 @!p0 $0x1C02  }
0x204: {  	[timem:s3], [sflag:s2] =	dma.local @!p0 [hbm:s0], s1  }
0x205: {  	s0 =	simm.s32 @!p0 $0x2  }
0x206: {  	_ =	swait.ge @!p0 [sflag:s0], s1  }
0x207: {  	s1 =	ssub.s32 @!p0 $0x0, s1;
	[sflag:s0] =	ssyncset.done @!p0 $0x0  }
0x208: {  	[sflag:s0] =	ssyncadd.s32 @!p0 s1  }
0x209: {  	[bflag:$0x3] =	sbarrier.arrive $0xFFFF  }
0x20a: {  	_ =	shalt  }

</sc_bundles>
